<compile_context>
chip_gen: v7x
topology: tpu7x:2x2x1
jax: 0.10.2.dev20260603
libtpu: 0.0.44.dev20260713+nightly
codegen_flags: <defaults>
</compile_context>

<pallas_src>
import functools

import jax
import jax.numpy as jnp
from jax import lax
from jax.experimental import pallas as pl
from jax.experimental.pallas import tpu as pltpu
from jax.experimental.pallas import tpu_sc as plsc

_N = 10000
_D = 128
_E = 320000

_NC = 2
_NS = 16
_NW = _NC * _NS
_EPW = _E // _NW
_B = 50
_NB = _EPW // _B
_CB = 40
_NCH = _NB // _CB
_CE = _CB * _B
_RCH = 16
_RPT = 624


def _sc_aggregate(feature, src, dst):
  mesh = plsc.VectorSubcoreMesh(core_axis_name="c", subcore_axis_name="s")

  @functools.partial(
      pl.kernel,
      out_type=(
          jax.ShapeDtypeStruct((_NC, _N, _D), jnp.float32),
          jax.ShapeDtypeStruct((_NC, _NS, _N), jnp.float32),
      ),
      mesh=mesh,
      compiler_params=pltpu.CompilerParams(needs_layout_passes=False),
      scratch_types=(
          pltpu.VMEM((_CB, _B), jnp.int32),
          pltpu.VMEM((_CB, _B), jnp.int32),
          pltpu.VMEM((3, _B, _D), jnp.float32),
          pltpu.VMEM((_N,), jnp.float32),
          pltpu.VMEM((_RCH, _D), jnp.float32),
          pltpu.VMEM_SHARED((_N, _D), jnp.float32),
          pltpu.SemaphoreType.DMA,
          pltpu.SemaphoreType.DMA,
          pltpu.SemaphoreType.DMA,
          pltpu.SemaphoreType.DMA,
          pltpu.SemaphoreType.DMA,
          pltpu.SemaphoreType.DMA,
      ),
  )
  def k(feature_hbm, src_hbm, dst_hbm, agg_out, deg_out,
        src_v, dst_v, rows_v, hist_v, zrow_v, agg_sh,
        gsem0, gsem1, gsem2, ssem0, ssem1, ssem2):
    cid = lax.axis_index("c")
    sid = lax.axis_index("s")
    wid = sid * _NC + cid
    rbase = sid * _RPT
    nch = jnp.where(sid == _NS - 1, 40, _RPT // _RCH)

    z16 = jnp.zeros((16,), jnp.float32)
    o16 = jnp.ones((16,), jnp.float32)

    @pl.loop(0, _RCH)
    def _zr(r):
      @pl.loop(0, _D // 16)
      def _zc(c):
        zrow_v[r, pl.ds(c * 16, 16)] = z16

    @pl.loop(0, _N // 16)
    def _zh(r):
      hist_v[pl.ds(r * 16, 16)] = z16

    @pl.loop(0, nch)
    def _zi(j):
      pltpu.sync_copy(zrow_v, agg_sh.at[pl.ds(rbase + j * _RCH, _RCH)])

    plsc.subcore_barrier()

    gsems = (gsem0, gsem1, gsem2)
    ssems = (ssem0, ssem1, ssem2)
    tailmask = lax.iota(jnp.int32, 16) >= (16 - _B % 16)

    def _start_gather(i, buf):
      pltpu.async_copy(feature_hbm.at[src_v.at[i]], rows_v.at[buf], gsems[buf])

    def _wait_gather(i, buf):
      pltpu.make_async_copy(feature_hbm.at[src_v.at[i]], rows_v.at[buf],
                            gsems[buf]).wait()

    def _start_scatter(i, buf):
      pltpu.async_copy(rows_v.at[buf], agg_sh.at[dst_v.at[i]], ssems[buf],
                       add=True)

    def _wait_scatter(i, buf):
      pltpu.make_async_copy(rows_v.at[buf], agg_sh.at[dst_v.at[i]],
                            ssems[buf]).wait()

    def _hist(i):
      @pl.loop(0, _B // 16)
      def _dh(g):
        plsc.addupdate_scatter(hist_v, [dst_v[i, pl.ds(g * 16, 16)]], o16)

      plsc.addupdate_scatter(hist_v, [dst_v[i, pl.ds(_B - 16, 16)]], o16,
                             mask=tailmask)

    @pl.loop(0, _NCH)
    def _ch(c):
      pltpu.sync_copy(src_hbm.at[wid, pl.ds(c * _CB, _CB)], src_v)
      pltpu.sync_copy(dst_hbm.at[wid, pl.ds(c * _CB, _CB)], dst_v)
      for j in range(3):
        _start_gather(j, j)

      @pl.loop(0, _CB - 6, step=3, unroll=2)
      def _eb(i):
        for j in range(3):
          _wait_gather(i + j, j)
          _start_scatter(i + j, j)
          _hist(i + j)

        for j in range(3):
          _wait_scatter(i + j, j)
          _start_gather(i + j + 3, j)

      _wait_gather(_CB - 4, 0)
      _start_scatter(_CB - 4, 0)
      _hist(_CB - 4)
      _wait_scatter(_CB - 4, 0)
      _start_gather(_CB - 1, 0)
      for k in (_CB - 3, _CB - 2, _CB - 1):
        _wait_gather(k, k % 3)
        _start_scatter(k, k % 3)
        _hist(k)
      for k in (_CB - 3, _CB - 2, _CB - 1):
        _wait_scatter(k, k % 3)

    plsc.subcore_barrier()

    @pl.loop(0, nch)
    def _wo(j):
      r0 = rbase + j * _RCH
      pltpu.sync_copy(agg_sh.at[pl.ds(r0, _RCH)], zrow_v)
      pltpu.sync_copy(zrow_v, agg_out.at[cid, pl.ds(r0, _RCH)])

    pltpu.sync_copy(hist_v, deg_out.at[cid, sid])

  return k(feature, src.reshape(_NW, _NB, _B), dst.reshape(_NW, _NB, _B))


_R = 1000


def _tc_combine(feature, agg2, degT, W, b):
  def body(f_ref, a_ref, d_ref, w_ref, b_ref, o_ref):
    f = f_ref[...]
    a = a_ref[0] + a_ref[1]
    d = jnp.sum(d_ref[...], axis=1)
    deg = jnp.maximum(d, 1.0)[:, None]
    neigh = a / deg
    w = w_ref[...]
    acc = jnp.dot(f, w[:_D], preferred_element_type=jnp.float32)
    acc = acc + jnp.dot(neigh, w[_D:], preferred_element_type=jnp.float32)
    o_ref[...] = jnp.maximum(acc + b_ref[...], 0.0)

  return pl.pallas_call(
      body,
      grid=(_N // _R,),
      in_specs=[
          pl.BlockSpec((_R, _D), lambda i: (i, 0)),
          pl.BlockSpec((_NC, _R, _D), lambda i: (0, i, 0)),
          pl.BlockSpec((_R, _NC * _NS), lambda i: (i, 0)),
          pl.BlockSpec((2 * _D, _D), lambda i: (0, 0)),
          pl.BlockSpec((1, _D), lambda i: (0, 0)),
      ],
      out_specs=pl.BlockSpec((_R, _D), lambda i: (i, 0)),
      out_shape=jax.ShapeDtypeStruct((_N, _D), jnp.float32),
  )(feature, agg2, degT, W, b.reshape(1, _D))


def kernel(feature, edge_index, W, b):
  src = edge_index[0]
  dst = edge_index[1]
  agg2, deg2 = _sc_aggregate(feature, src, dst)
  degT = deg2.reshape(_NC * _NS, _N).T
  return _tc_combine(feature, agg2, degT, W, b)

# --- scband reference (transcript-rebuilt; emitter-appended) ---
"""Pipeline reference for scband-encoder-21887153340715 (READ-ONLY COPY).

The authoritative reference and input builder live on the scoring server;
editing this copy changes nothing except your own understanding.
"""

import jax, jax.numpy as jnp
import numpy as np

N = 10000
E = 320000
D = 128

def setup_inputs(seed: int = 0) -> dict:
    key = jax.random.key(seed)
    k1, k2, k3, k4 = jax.random.split(key, 4)
    feature = jax.random.normal(k1, (N, D), dtype=jnp.float32)
    edge_index = jax.random.randint(k2, (2, E), 0, N, dtype=jnp.int32)
    # nn.Linear(2*D, D): implement as x @ W + b with W [2D, D]
    W = jax.random.normal(k3, (2 * D, D), dtype=jnp.float32) * (1.0 / np.sqrt(2 * D))
    b = jax.random.uniform(k4, (D,), dtype=jnp.float32, minval=-1.0 / np.sqrt(2 * D), maxval=1.0 / np.sqrt(2 * D))
    return {"feature": feature, "edge_index": edge_index, "W": W, "b": b}

def reference(feature, edge_index, W, b):
    # Mean aggregator over neighbors (aggregator.forward(adj)):
    # gather source features, scatter-mean into destination nodes.
    src = edge_index[0]
    dst = edge_index[1]
    msgs = jnp.take(feature, src, axis=0)                       # gather  [E, D]
    agg = jax.ops.segment_sum(msgs, dst, num_segments=N)        # scatter-add [N, D]
    deg = jax.ops.segment_sum(jnp.ones((E,), dtype=feature.dtype), dst, num_segments=N)
    neigh_feature = agg / jnp.clip(deg, 1.0)[:, None]           # mean
    combined = jnp.concatenate([feature, neigh_feature], axis=1)  # [N, 2D]
    component_embed_matrix = jax.nn.relu(combined @ W + b)        # [N, D]
    return component_embed_matrix

if __name__ == "__main__":
    import jax
    _d = setup_inputs()
    print(jax.jit(kernel)(*tuple(_d.values())))

</pallas_src>

<mosaic_0001>
#map = affine_map<(d0, d1) -> (0, 0)>
#map1 = affine_map<(d0, d1) -> (0, 0, 0)>
module attributes {stable_mosaic.version = 14 : i64} {
  func.func @k(%arg0: i32, %arg1: i32, %arg2: memref<10000x128xf32, #tpu.memory_space<hbm>>, %arg3: memref<32x200x50xi32, #tpu.memory_space<hbm>>, %arg4: memref<32x200x50xi32, #tpu.memory_space<hbm>>, %arg5: memref<2x10000x128xf32, #tpu.memory_space<hbm>>, %arg6: memref<2x16x10000xf32, #tpu.memory_space<hbm>>, %arg7: memref<40x50xi32, #tpu.memory_space<vmem>>, %arg8: memref<40x50xi32, #tpu.memory_space<vmem>>, %arg9: memref<3x50x128xf32, #tpu.memory_space<vmem>>, %arg10: memref<10000xf32, #tpu.memory_space<vmem>>, %arg11: memref<16x128xf32, #tpu.memory_space<vmem>>, %arg12: memref<10000x128xf32, #tpu.memory_space<vmem_shared>>, %arg13: memref<!tpu.dma_semaphore, #tpu.memory_space<semaphore_mem>>, %arg14: memref<!tpu.dma_semaphore, #tpu.memory_space<semaphore_mem>>, %arg15: memref<!tpu.dma_semaphore, #tpu.memory_space<semaphore_mem>>, %arg16: memref<!tpu.dma_semaphore, #tpu.memory_space<semaphore_mem>>, %arg17: memref<!tpu.dma_semaphore, #tpu.memory_space<semaphore_mem>>, %arg18: memref<!tpu.dma_semaphore, #tpu.memory_space<semaphore_mem>>) attributes {dimension_semantics = [#tpu.dimension_semantics<core_parallel>, #tpu.dimension_semantics<subcore_parallel>], iteration_bounds = array<i64: 2, 16>, scalar_prefetch = 0 : i64, scratch_operands = 12 : i64, tpu.core_type = #tpu.core_type<sc_vector_subcore>, window_params = [{transform_indices = #map}, {transform_indices = #map1}, {transform_indices = #map1}, {transform_indices = #map1}, {transform_indices = #map1}]} {
    %mul3A = arith.constant 2 : i32
    %mul3A_0 = arith.muli %arg1, %mul3A : i32
    %add3A = arith.addi %mul3A_0, %arg0 : i32
    %mul3A_1 = arith.constant 624 : i32
    %mul3A_2 = arith.muli %arg1, %mul3A_1 : i32
    %eq3A = arith.constant 15 : i32
    %eq3A_3 = arith.cmpi eq, %arg1, %eq3A : i32
    %jit3A = arith.constant 40 : i32
    %jit3A_4 = arith.constant 39 : i32
    %select_n3A = arith.select %eq3A_3, %jit3A, %jit3A_4 : i32
    %broadcast_in_dim3A = arith.constant 0.000000e+00 : f32
    %broadcast_in_dim3A_5 = vector.broadcast %broadcast_in_dim3A : f32 to vector<16xf32>
    %broadcast_in_dim3A_6 = arith.constant 1.000000e+00 : f32
    %broadcast_in_dim3A_7 = vector.broadcast %broadcast_in_dim3A_6 : f32 to vector<16xf32>
    %scan3A = arith.constant 0 : i32
    %scan3A_8 = arith.constant 16 : i32
    %scan3A_9 = arith.addi %scan3A, %scan3A_8 : i32
    %scan3A_10 = arith.constant 1 : i32
    scf.for %scan3A_60 = %scan3A to %scan3A_9 step %scan3A_10  : i32 {
      %mul3A_61 = arith.constant 1 : i32
      %mul3A_62 = arith.muli %scan3A_60, %mul3A_61 : i32
      %add3A_63 = arith.constant 0 : i32
      %add3A_64 = arith.addi %add3A_63, %mul3A_62 : i32
      %scan3A_65 = arith.constant 0 : i32
      %scan3A_66 = arith.constant 8 : i32
      %scan3A_67 = arith.addi %scan3A_65, %scan3A_66 : i32
      %scan3A_68 = arith.constant 1 : i32
      scf.for %scan3A_70 = %scan3A_65 to %scan3A_67 step %scan3A_68  : i32 {
        %mul3A_71 = arith.constant 1 : i32
        %mul3A_72 = arith.muli %scan3A_70, %mul3A_71 : i32
        %add3A_73 = arith.constant 0 : i32
        %add3A_74 = arith.addi %add3A_73, %mul3A_72 : i32
        %mul3A_75 = arith.constant 16 : i32
        %mul3A_76 = arith.muli %add3A_74, %mul3A_75 : i32
        %swap3A = arith.index_cast %add3A_64 : i32 to index
        %swap3A_77 = arith.index_cast %mul3A_76 : i32 to index
        %swap3A_78 = tpu.vector_load %arg11[%swap3A, %swap3A_77] {strides = array<i32>} : memref<16x128xf32, #tpu.memory_space<vmem>>, vector<16xf32>,
        tpu.vector_store %arg11[%swap3A, %swap3A_77], %broadcast_in_dim3A_5 {strides = array<i32>} : memref<16x128xf32, #tpu.memory_space<vmem>>, vector<16xf32>,
      }
      %scan3A_69 = arith.constant 8 : i32
    }
    %scan3A_11 = arith.constant 16 : i32
    %scan3A_12 = arith.constant 0 : i32
    %scan3A_13 = arith.constant 625 : i32
    %scan3A_14 = arith.addi %scan3A_12, %scan3A_13 : i32
    %scan3A_15 = arith.constant 1 : i32
    scf.for %scan3A_60 = %scan3A_12 to %scan3A_14 step %scan3A_15  : i32 {
      %mul3A_61 = arith.constant 1 : i32
      %mul3A_62 = arith.muli %scan3A_60, %mul3A_61 : i32
      %add3A_63 = arith.constant 0 : i32
      %add3A_64 = arith.addi %add3A_63, %mul3A_62 : i32
      %mul3A_65 = arith.constant 16 : i32
      %mul3A_66 = arith.muli %add3A_64, %mul3A_65 : i32
      %swap3A = arith.index_cast %mul3A_66 : i32 to index
      %swap3A_67 = tpu.vector_load %arg10[%swap3A] {strides = array<i32>} : memref<10000xf32, #tpu.memory_space<vmem>>, vector<16xf32>,
      tpu.vector_store %arg10[%swap3A], %broadcast_in_dim3A_5 {strides = array<i32>} : memref<10000xf32, #tpu.memory_space<vmem>>, vector<16xf32>,
    }
    %scan3A_16 = arith.constant 625 : i32
    %sub3A = arith.constant 0 : i32
    %sub3A_17 = arith.subi %select_n3A, %sub3A : i32
    %sub3A_18 = arith.constant 1 : i32
    %sub3A_19 = arith.constant 1 : i32
    %sub3A_20 = arith.subi %sub3A_18, %sub3A_19 : i32
    %add3A_21 = arith.addi %sub3A_17, %sub3A_20 : i32
    %div3A = arith.constant 1 : i32
    %div3A_22 = arith.divsi %add3A_21, %div3A : i32
    %while3A = arith.constant 1 : i32
    %while3A_23 = arith.constant 0 : i32
    %while3A_24 = arith.constant 0 : i32
    %while3A_25 = arith.subi %div3A_22, %while3A_24 : i32
    %while3A_26 = arith.addi %while3A_24, %while3A_25 : i32
    %while3A_27 = arith.constant 1 : i32
    %while3A_28 = arith.divsi %while3A_25, %while3A_27 : i32
    %while3A_29 = arith.muli %while3A_28, %while3A_27 : i32
    %while3A_30 = arith.addi %while3A_24, %while3A_29 : i32
    %while3A_31 = arith.constant 1 : i32
    scf.for %while3A_60 = %while3A_24 to %while3A_30 step %while3A_31  : i32 {
      %mul3A_61 = arith.muli %while3A_60, %while3A : i32
      %add3A_62 = arith.addi %while3A_23, %mul3A_61 : i32
      %mul3A_63 = arith.constant 16 : i32
      %mul3A_64 = arith.muli %add3A_62, %mul3A_63 : i32
      %add3A_65 = arith.addi %mul3A_2, %mul3A_64 : i32
      "tpu.region"() ({
        %run_scoped3A = tpu.sem_alloc : memref<!tpu.dma_semaphore, #tpu.memory_space<semaphore_mem>>
        %dma_start3A = arith.constant 0 : i32
        %dma_start3A_66 = tpu.memref_slice %arg12[%add3A_65, %dma_start3A] : memref<10000x128xf32, #tpu.memory_space<vmem_shared>> -> memref<16x128xf32, #tpu.memory_space<vmem_shared>>
        %dma_start3A_67 = arith.constant 0 : i32
        %dma_start3A_68 = tpu.memref_slice %arg12[%add3A_65, %dma_start3A_67] : memref<10000x128xf32, #tpu.memory_space<vmem_shared>> -> memref<16x128xf32, #tpu.memory_space<vmem_shared>>
        tpu.enqueue_dma source(%arg11 : memref<16x128xf32, #tpu.memory_space<vmem>>) target(%dma_start3A_68 : memref<16x128xf32, #tpu.memory_space<vmem_shared>>) target_semaphore(%run_scoped3A : memref<!tpu.dma_semaphore, #tpu.memory_space<semaphore_mem>>)
        %dma_wait3A = arith.constant 0 : i32
        %dma_wait3A_69 = tpu.memref_slice %arg12[%add3A_65, %dma_wait3A] : memref<10000x128xf32, #tpu.memory_space<vmem_shared>> -> memref<16x128xf32, #tpu.memory_space<vmem_shared>>
        %dma_wait3A_70 = arith.constant 0 : i32
        %dma_wait3A_71 = tpu.memref_slice %arg12[%add3A_65, %dma_wait3A_70] : memref<10000x128xf32, #tpu.memory_space<vmem_shared>> -> memref<16x128xf32, #tpu.memory_space<vmem_shared>>
        tpu.wait_dma2 semaphore(%run_scoped3A : memref<!tpu.dma_semaphore, #tpu.memory_space<semaphore_mem>>) src(%arg11 : memref<16x128xf32, #tpu.memory_space<vmem>>) dst(%dma_wait3A_71 : memref<16x128xf32, #tpu.memory_space<vmem_shared>>)
        tpu.yield
      }) : () -> ()
    }
    %while3A_32 = arith.constant 1 : i32
    scf.for %while3A_60 = %while3A_30 to %while3A_26 step %while3A_32  : i32 {
      %mul3A_61 = arith.muli %while3A_60, %while3A : i32
      %add3A_62 = arith.addi %while3A_23, %mul3A_61 : i32
      %mul3A_63 = arith.constant 16 : i32
      %mul3A_64 = arith.muli %add3A_62, %mul3A_63 : i32
      %add3A_65 = arith.addi %mul3A_2, %mul3A_64 : i32
      "tpu.region"() ({
        %run_scoped3A = tpu.sem_alloc : memref<!tpu.dma_semaphore, #tpu.memory_space<semaphore_mem>>
        %dma_start3A = arith.constant 0 : i32
        %dma_start3A_66 = tpu.memref_slice %arg12[%add3A_65, %dma_start3A] : memref<10000x128xf32, #tpu.memory_space<vmem_shared>> -> memref<16x128xf32, #tpu.memory_space<vmem_shared>>
        %dma_start3A_67 = arith.constant 0 : i32
        %dma_start3A_68 = tpu.memref_slice %arg12[%add3A_65, %dma_start3A_67] : memref<10000x128xf32, #tpu.memory_space<vmem_shared>> -> memref<16x128xf32, #tpu.memory_space<vmem_shared>>
        tpu.enqueue_dma source(%arg11 : memref<16x128xf32, #tpu.memory_space<vmem>>) target(%dma_start3A_68 : memref<16x128xf32, #tpu.memory_space<vmem_shared>>) target_semaphore(%run_scoped3A : memref<!tpu.dma_semaphore, #tpu.memory_space<semaphore_mem>>)
        %dma_wait3A = arith.constant 0 : i32
        %dma_wait3A_69 = tpu.memref_slice %arg12[%add3A_65, %dma_wait3A] : memref<10000x128xf32, #tpu.memory_space<vmem_shared>> -> memref<16x128xf32, #tpu.memory_space<vmem_shared>>
        %dma_wait3A_70 = arith.constant 0 : i32
        %dma_wait3A_71 = tpu.memref_slice %arg12[%add3A_65, %dma_wait3A_70] : memref<10000x128xf32, #tpu.memory_space<vmem_shared>> -> memref<16x128xf32, #tpu.memory_space<vmem_shared>>
        tpu.wait_dma2 semaphore(%run_scoped3A : memref<!tpu.dma_semaphore, #tpu.memory_space<semaphore_mem>>) src(%arg11 : memref<16x128xf32, #tpu.memory_space<vmem>>) dst(%dma_wait3A_71 : memref<16x128xf32, #tpu.memory_space<vmem_shared>>)
        tpu.yield
      }) : () -> ()
    }
    %barrier3A = arith.constant 0 : index
    tpu.barrier barrier_id(%barrier3A)
    %iota3A = tpu.iota {dimensions = array<i32: 0>} : vector<16xi32>
    %ge3A = arith.constant 14 : i32
    %ge3A_33 = vector.broadcast %ge3A : i32 to vector<16xi32>
    %ge3A_34 = arith.cmpi sge, %iota3A, %ge3A_33 : vector<16xi32>
    %scan3A_35 = arith.constant 0 : i32
    %scan3A_36 = arith.constant 5 : i32
    %scan3A_37 = arith.addi %scan3A_35, %scan3A_36 : i32
    %scan3A_38 = arith.constant 1 : i32
    scf.for %scan3A_60 = %scan3A_35 to %scan3A_37 step %scan3A_38  : i32 {
      %mul3A_61 = arith.constant 1 : i32
      %mul3A_62 = arith.muli %scan3A_60, %mul3A_61 : i32
      %add3A_63 = arith.constant 0 : i32
      %add3A_64 = arith.addi %add3A_63, %mul3A_62 : i32
      %mul3A_65 = arith.constant 40 : i32
      %mul3A_66 = arith.muli %add3A_64, %mul3A_65 : i32
      "tpu.region"() ({
        %run_scoped3A = tpu.sem_alloc : memref<!tpu.dma_semaphore, #tpu.memory_space<semaphore_mem>>
        %dma_start3A_299 = arith.constant 0 : i32
        %dma_start3A_300 = tpu.memref_slice %arg3[%add3A, %mul3A_66, %dma_start3A_299] : memref<32x200x50xi32, #tpu.memory_space<hbm>> -> memref<1x40x50xi32, #tpu.memory_space<hbm>>
        %dma_start3A_301 = tpu.memref_squeeze %dma_start3A_300 : memref<1x40x50xi32, #tpu.memory_space<hbm>> -> memref<40x50xi32, #tpu.memory_space<hbm>>
        %dma_start3A_302 = arith.constant 0 : i32
        %dma_start3A_303 = tpu.memref_slice %arg3[%add3A, %mul3A_66, %dma_start3A_302] : memref<32x200x50xi32, #tpu.memory_space<hbm>> -> memref<1x40x50xi32, #tpu.memory_space<hbm>>
        %dma_start3A_304 = tpu.memref_squeeze %dma_start3A_303 : memref<1x40x50xi32, #tpu.memory_space<hbm>> -> memref<40x50xi32, #tpu.memory_space<hbm>>
        tpu.enqueue_dma source(%dma_start3A_304 : memref<40x50xi32, #tpu.memory_space<hbm>>) target(%arg7 : memref<40x50xi32, #tpu.memory_space<vmem>>) target_semaphore(%run_scoped3A : memref<!tpu.dma_semaphore, #tpu.memory_space<semaphore_mem>>)
        %dma_wait3A_305 = arith.constant 0 : i32
        %dma_wait3A_306 = tpu.memref_slice %arg3[%add3A, %mul3A_66, %dma_wait3A_305] : memref<32x200x50xi32, #tpu.memory_space<hbm>> -> memref<1x40x50xi32, #tpu.memory_space<hbm>>
        %dma_wait3A_307 = tpu.memref_squeeze %dma_wait3A_306 : memref<1x40x50xi32, #tpu.memory_space<hbm>> -> memref<40x50xi32, #tpu.memory_space<hbm>>
        %dma_wait3A_308 = arith.constant 0 : i32
        %dma_wait3A_309 = tpu.memref_slice %arg3[%add3A, %mul3A_66, %dma_wait3A_308] : memref<32x200x50xi32, #tpu.memory_space<hbm>> -> memref<1x40x50xi32, #tpu.memory_space<hbm>>
        %dma_wait3A_310 = tpu.memref_squeeze %dma_wait3A_309 : memref<1x40x50xi32, #tpu.memory_space<hbm>> -> memref<40x50xi32, #tpu.memory_space<hbm>>
        tpu.wait_dma2 semaphore(%run_scoped3A : memref<!tpu.dma_semaphore, #tpu.memory_space<semaphore_mem>>) src(%dma_wait3A_310 : memref<40x50xi32, #tpu.memory_space<hbm>>) dst(%arg7 : memref<40x50xi32, #tpu.memory_space<vmem>>)
        tpu.yield
      }) : () -> ()
      %mul3A_67 = arith.constant 40 : i32
      %mul3A_68 = arith.muli %add3A_64, %mul3A_67 : i32
      "tpu.region"() ({
        %run_scoped3A = tpu.sem_alloc : memref<!tpu.dma_semaphore, #tpu.memory_space<semaphore_mem>>
        %dma_start3A_299 = arith.constant 0 : i32
        %dma_start3A_300 = tpu.memref_slice %arg4[%add3A, %mul3A_68, %dma_start3A_299] : memref<32x200x50xi32, #tpu.memory_space<hbm>> -> memref<1x40x50xi32, #tpu.memory_space<hbm>>
        %dma_start3A_301 = tpu.memref_squeeze %dma_start3A_300 : memref<1x40x50xi32, #tpu.memory_space<hbm>> -> memref<40x50xi32, #tpu.memory_space<hbm>>
        %dma_start3A_302 = arith.constant 0 : i32
        %dma_start3A_303 = tpu.memref_slice %arg4[%add3A, %mul3A_68, %dma_start3A_302] : memref<32x200x50xi32, #tpu.memory_space<hbm>> -> memref<1x40x50xi32, #tpu.memory_space<hbm>>
        %dma_start3A_304 = tpu.memref_squeeze %dma_start3A_303 : memref<1x40x50xi32, #tpu.memory_space<hbm>> -> memref<40x50xi32, #tpu.memory_space<hbm>>
        tpu.enqueue_dma source(%dma_start3A_304 : memref<40x50xi32, #tpu.memory_space<hbm>>) target(%arg8 : memref<40x50xi32, #tpu.memory_space<vmem>>) target_semaphore(%run_scoped3A : memref<!tpu.dma_semaphore, #tpu.memory_space<semaphore_mem>>)
        %dma_wait3A_305 = arith.constant 0 : i32
        %dma_wait3A_306 = tpu.memref_slice %arg4[%add3A, %mul3A_68, %dma_wait3A_305] : memref<32x200x50xi32, #tpu.memory_space<hbm>> -> memref<1x40x50xi32, #tpu.memory_space<hbm>>
        %dma_wait3A_307 = tpu.memref_squeeze %dma_wait3A_306 : memref<1x40x50xi32, #tpu.memory_space<hbm>> -> memref<40x50xi32, #tpu.memory_space<hbm>>
        %dma_wait3A_308 = arith.constant 0 : i32
        %dma_wait3A_309 = tpu.memref_slice %arg4[%add3A, %mul3A_68, %dma_wait3A_308] : memref<32x200x50xi32, #tpu.memory_space<hbm>> -> memref<1x40x50xi32, #tpu.memory_space<hbm>>
        %dma_wait3A_310 = tpu.memref_squeeze %dma_wait3A_309 : memref<1x40x50xi32, #tpu.memory_space<hbm>> -> memref<40x50xi32, #tpu.memory_space<hbm>>
        tpu.wait_dma2 semaphore(%run_scoped3A : memref<!tpu.dma_semaphore, #tpu.memory_space<semaphore_mem>>) src(%dma_wait3A_310 : memref<40x50xi32, #tpu.memory_space<hbm>>) dst(%arg8 : memref<40x50xi32, #tpu.memory_space<vmem>>)
        tpu.yield
      }) : () -> ()
      %dma_start3A = arith.constant 0 : i32
      %dma_start3A_69 = arith.constant 0 : i32
      %dma_start3A_70 = arith.constant 0 : i32
      %dma_start3A_71 = arith.constant 0 : i32
      %dma_start3A_72 = tpu.memref_slice %arg9[%dma_start3A_69, %dma_start3A_70, %dma_start3A_71] : memref<3x50x128xf32, #tpu.memory_space<vmem>> -> memref<1x50x128xf32, #tpu.memory_space<vmem>>
      %dma_start3A_73 = tpu.memref_squeeze %dma_start3A_72 : memref<1x50x128xf32, #tpu.memory_space<vmem>> -> memref<50x128xf32, #tpu.memory_space<vmem>>
      %dma_start3A_74 = arith.constant 0 : i32
      %dma_start3A_75 = tpu.memref_slice %arg7[%dma_start3A, %dma_start3A_74] : memref<40x50xi32, #tpu.memory_space<vmem>> -> memref<1x50xi32, #tpu.memory_space<vmem>>
      %dma_start3A_76 = tpu.memref_squeeze %dma_start3A_75 : memref<1x50xi32, #tpu.memory_space<vmem>> -> memref<50xi32, #tpu.memory_space<vmem>>
      %dma_start3A_77 = arith.constant 0 : i32
      %dma_start3A_78 = arith.constant 0 : i32
      %dma_start3A_79 = tpu.memref_slice %arg2[%dma_start3A_77, %dma_start3A_78] : memref<10000x128xf32, #tpu.memory_space<hbm>> -> memref<10000x128xf32, #tpu.memory_space<hbm>>
      tpu.enqueue_indirect_dma source(%dma_start3A_79 : memref<10000x128xf32, #tpu.memory_space<hbm>>) target(%dma_start3A_73 : memref<50x128xf32, #tpu.memory_space<vmem>>) offsets(%dma_start3A_76 : memref<50xi32, #tpu.memory_space<vmem>>) semaphore(%arg13 : memref<!tpu.dma_semaphore, #tpu.memory_space<semaphore_mem>>)
      %dma_start3A_80 = arith.constant 1 : i32
      %dma_start3A_81 = arith.constant 1 : i32
      %dma_start3A_82 = arith.constant 0 : i32
      %dma_start3A_83 = arith.constant 0 : i32
      %dma_start3A_84 = tpu.memref_slice %arg9[%dma_start3A_81, %dma_start3A_82, %dma_start3A_83] : memref<3x50x128xf32, #tpu.memory_space<vmem>> -> memref<1x50x128xf32, #tpu.memory_space<vmem>>
      %dma_start3A_85 = tpu.memref_squeeze %dma_start3A_84 : memref<1x50x128xf32, #tpu.memory_space<vmem>> -> memref<50x128xf32, #tpu.memory_space<vmem>>
      %dma_start3A_86 = arith.constant 0 : i32
      %dma_start3A_87 = tpu.memref_slice %arg7[%dma_start3A_80, %dma_start3A_86] : memref<40x50xi32, #tpu.memory_space<vmem>> -> memref<1x50xi32, #tpu.memory_space<vmem>>
      %dma_start3A_88 = tpu.memref_squeeze %dma_start3A_87 : memref<1x50xi32, #tpu.memory_space<vmem>> -> memref<50xi32, #tpu.memory_space<vmem>>
      %dma_start3A_89 = arith.constant 0 : i32
      %dma_start3A_90 = arith.constant 0 : i32
      %dma_start3A_91 = tpu.memref_slice %arg2[%dma_start3A_89, %dma_start3A_90] : memref<10000x128xf32, #tpu.memory_space<hbm>> -> memref<10000x128xf32, #tpu.memory_space<hbm>>
      tpu.enqueue_indirect_dma source(%dma_start3A_91 : memref<10000x128xf32, #tpu.memory_space<hbm>>) target(%dma_start3A_85 : memref<50x128xf32, #tpu.memory_space<vmem>>) offsets(%dma_start3A_88 : memref<50xi32, #tpu.memory_space<vmem>>) semaphore(%arg14 : memref<!tpu.dma_semaphore, #tpu.memory_space<semaphore_mem>>)
      %dma_start3A_92 = arith.constant 2 : i32
      %dma_start3A_93 = arith.constant 2 : i32
      %dma_start3A_94 = arith.constant 0 : i32
      %dma_start3A_95 = arith.constant 0 : i32
      %dma_start3A_96 = tpu.memref_slice %arg9[%dma_start3A_93, %dma_start3A_94, %dma_start3A_95] : memref<3x50x128xf32, #tpu.memory_space<vmem>> -> memref<1x50x128xf32, #tpu.memory_space<vmem>>
      %dma_start3A_97 = tpu.memref_squeeze %dma_start3A_96 : memref<1x50x128xf32, #tpu.memory_space<vmem>> -> memref<50x128xf32, #tpu.memory_space<vmem>>
      %dma_start3A_98 = arith.constant 0 : i32
      %dma_start3A_99 = tpu.memref_slice %arg7[%dma_start3A_92, %dma_start3A_98] : memref<40x50xi32, #tpu.memory_space<vmem>> -> memref<1x50xi32, #tpu.memory_space<vmem>>
      %dma_start3A_100 = tpu.memref_squeeze %dma_start3A_99 : memref<1x50xi32, #tpu.memory_space<vmem>> -> memref<50xi32, #tpu.memory_space<vmem>>
      %dma_start3A_101 = arith.constant 0 : i32
      %dma_start3A_102 = arith.constant 0 : i32
      %dma_start3A_103 = tpu.memref_slice %arg2[%dma_start3A_101, %dma_start3A_102] : memref<10000x128xf32, #tpu.memory_space<hbm>> -> memref<10000x128xf32, #tpu.memory_space<hbm>>
      tpu.enqueue_indirect_dma source(%dma_start3A_103 : memref<10000x128xf32, #tpu.memory_space<hbm>>) target(%dma_start3A_97 : memref<50x128xf32, #tpu.memory_space<vmem>>) offsets(%dma_start3A_100 : memref<50xi32, #tpu.memory_space<vmem>>) semaphore(%arg15 : memref<!tpu.dma_semaphore, #tpu.memory_space<semaphore_mem>>)
      %scan3A_104 = arith.constant 0 : i32
      %scan3A_105 = arith.constant 12 : i32
      %scan3A_106 = arith.addi %scan3A_104, %scan3A_105 : i32
      %scan3A_107 = arith.constant 2 : i32
      scf.for %scan3A_299 = %scan3A_104 to %scan3A_106 step %scan3A_107  : i32 {
        %mul3A_300 = arith.constant 3 : i32
        %mul3A_301 = arith.muli %scan3A_299, %mul3A_300 : i32
        %add3A_302 = arith.constant 0 : i32
        %add3A_303 = arith.addi %add3A_302, %mul3A_301 : i32
        %add3A_304 = arith.constant 0 : i32
        %add3A_305 = arith.addi %add3A_303, %add3A_304 : i32
        %dma_wait3A_306 = arith.constant 0 : i32
        %dma_wait3A_307 = arith.constant 0 : i32
        %dma_wait3A_308 = arith.constant 0 : i32
        %dma_wait3A_309 = tpu.memref_slice %arg9[%dma_wait3A_306, %dma_wait3A_307, %dma_wait3A_308] : memref<3x50x128xf32, #tpu.memory_space<vmem>> -> memref<1x50x128xf32, #tpu.memory_space<vmem>>
        %dma_wait3A_310 = tpu.memref_squeeze %dma_wait3A_309 : memref<1x50x128xf32, #tpu.memory_space<vmem>> -> memref<50x128xf32, #tpu.memory_space<vmem>>
        %dma_wait3A_311 = arith.constant 0 : i32
        %dma_wait3A_312 = tpu.memref_slice %arg7[%add3A_305, %dma_wait3A_311] : memref<40x50xi32, #tpu.memory_space<vmem>> -> memref<1x50xi32, #tpu.memory_space<vmem>>
        %dma_wait3A_313 = tpu.memref_squeeze %dma_wait3A_312 : memref<1x50xi32, #tpu.memory_space<vmem>> -> memref<50xi32, #tpu.memory_space<vmem>>
        %dma_wait3A_314 = arith.constant 0 : i32
        %dma_wait3A_315 = arith.constant 0 : i32
        %dma_wait3A_316 = tpu.memref_slice %arg2[%dma_wait3A_314, %dma_wait3A_315] : memref<10000x128xf32, #tpu.memory_space<hbm>> -> memref<10000x128xf32, #tpu.memory_space<hbm>>
        tpu.wait_indirect_dma semaphore(%arg13 : memref<!tpu.dma_semaphore, #tpu.memory_space<semaphore_mem>>) src(%dma_wait3A_316 : memref<10000x128xf32, #tpu.memory_space<hbm>>) dst(%dma_wait3A_310 : memref<50x128xf32, #tpu.memory_space<vmem>>)
        %add3A_317 = arith.constant 0 : i32
        %add3A_318 = arith.addi %add3A_303, %add3A_317 : i32
        %dma_start3A_319 = arith.constant 0 : i32
        %dma_start3A_320 = arith.constant 0 : i32
        %dma_start3A_321 = arith.constant 0 : i32
        %dma_start3A_322 = tpu.memref_slice %arg9[%dma_start3A_319, %dma_start3A_320, %dma_start3A_321] : memref<3x50x128xf32, #tpu.memory_space<vmem>> -> memref<1x50x128xf32, #tpu.memory_space<vmem>>
        %dma_start3A_323 = tpu.memref_squeeze %dma_start3A_322 : memref<1x50x128xf32, #tpu.memory_space<vmem>> -> memref<50x128xf32, #tpu.memory_space<vmem>>
        %dma_start3A_324 = arith.constant 0 : i32
        %dma_start3A_325 = tpu.memref_slice %arg8[%add3A_318, %dma_start3A_324] : memref<40x50xi32, #tpu.memory_space<vmem>> -> memref<1x50xi32, #tpu.memory_space<vmem>>
        %dma_start3A_326 = tpu.memref_squeeze %dma_start3A_325 : memref<1x50xi32, #tpu.memory_space<vmem>> -> memref<50xi32, #tpu.memory_space<vmem>>
        %dma_start3A_327 = arith.constant 0 : i32
        %dma_start3A_328 = arith.constant 0 : i32
        %dma_start3A_329 = tpu.memref_slice %arg12[%dma_start3A_327, %dma_start3A_328] : memref<10000x128xf32, #tpu.memory_space<vmem_shared>> -> memref<10000x128xf32, #tpu.memory_space<vmem_shared>>
        tpu.enqueue_indirect_dma source(%dma_start3A_323 : memref<50x128xf32, #tpu.memory_space<vmem>>) target(%dma_start3A_329 : memref<10000x128xf32, #tpu.memory_space<vmem_shared>>) offsets(%dma_start3A_326 : memref<50xi32, #tpu.memory_space<vmem>>) semaphore(%arg16 : memref<!tpu.dma_semaphore, #tpu.memory_space<semaphore_mem>>) {add = true}
        %add3A_330 = arith.constant 0 : i32
        %add3A_331 = arith.addi %add3A_303, %add3A_330 : i32
        %scan3A_332 = arith.constant 0 : i32
        %scan3A_333 = arith.constant 3 : i32
        %scan3A_334 = arith.addi %scan3A_332, %scan3A_333 : i32
        %scan3A_335 = arith.constant 1 : i32
        scf.for %scan3A_694 = %scan3A_332 to %scan3A_334 step %scan3A_335  : i32 {
          %mul3A_695 = arith.constant 1 : i32
          %mul3A_696 = arith.muli %scan3A_694, %mul3A_695 : i32
          %add3A_697 = arith.constant 0 : i32
          %add3A_698 = arith.addi %add3A_697, %mul3A_696 : i32
          %mul3A_699 = arith.constant 16 : i32
          %mul3A_700 = arith.muli %add3A_698, %mul3A_699 : i32
          %get3A_701 = arith.index_cast %add3A_331 : i32 to index
          %get3A_702 = arith.index_cast %mul3A_700 : i32 to index
          %get3A_703 = tpu.vector_load %arg8[%get3A_701, %get3A_702] {strides = array<i32>} : memref<40x50xi32, #tpu.memory_space<vmem>>, vector<16xi32>,
          tpu.vector_store_idx %arg10[%get3A_703], %broadcast_in_dim3A_7 {add = true} : memref<10000xf32, #tpu.memory_space<vmem>>[vector<16xi32>], vector<16xf32>,
        }
        %scan3A_336 = arith.constant 3 : i32
        %get3A_337 = arith.index_cast %add3A_331 : i32 to index
        %get3A_338 = arith.constant 34 : index
        %get3A_339 = tpu.vector_load %arg8[%get3A_337, %get3A_338] {strides = array<i32>} : memref<40x50xi32, #tpu.memory_space<vmem>>, vector<16xi32>,
        tpu.vector_store_idx %arg10[%get3A_339], %broadcast_in_dim3A_7 masked %ge3A_34 {add = true} : memref<10000xf32, #tpu.memory_space<vmem>>[vector<16xi32>], vector<16xf32>, vector<16xi1>
        %add3A_340 = arith.constant 1 : i32
        %add3A_341 = arith.addi %add3A_303, %add3A_340 : i32
        %dma_wait3A_342 = arith.constant 1 : i32
        %dma_wait3A_343 = arith.constant 0 : i32
        %dma_wait3A_344 = arith.constant 0 : i32
        %dma_wait3A_345 = tpu.memref_slice %arg9[%dma_wait3A_342, %dma_wait3A_343, %dma_wait3A_344] : memref<3x50x128xf32, #tpu.memory_space<vmem>> -> memref<1x50x128xf32, #tpu.memory_space<vmem>>
        %dma_wait3A_346 = tpu.memref_squeeze %dma_wait3A_345 : memref<1x50x128xf32, #tpu.memory_space<vmem>> -> memref<50x128xf32, #tpu.memory_space<vmem>>
        %dma_wait3A_347 = arith.constant 0 : i32
        %dma_wait3A_348 = tpu.memref_slice %arg7[%add3A_341, %dma_wait3A_347] : memref<40x50xi32, #tpu.memory_space<vmem>> -> memref<1x50xi32, #tpu.memory_space<vmem>>
        %dma_wait3A_349 = tpu.memref_squeeze %dma_wait3A_348 : memref<1x50xi32, #tpu.memory_space<vmem>> -> memref<50xi32, #tpu.memory_space<vmem>>
        %dma_wait3A_350 = arith.constant 0 : i32
        %dma_wait3A_351 = arith.constant 0 : i32
        %dma_wait3A_352 = tpu.memref_slice %arg2[%dma_wait3A_350, %dma_wait3A_351] : memref<10000x128xf32, #tpu.memory_space<hbm>> -> memref<10000x128xf32, #tpu.memory_space<hbm>>
        tpu.wait_indirect_dma semaphore(%arg14 : memref<!tpu.dma_semaphore, #tpu.memory_space<semaphore_mem>>) src(%dma_wait3A_352 : memref<10000x128xf32, #tpu.memory_space<hbm>>) dst(%dma_wait3A_346 : memref<50x128xf32, #tpu.memory_space<vmem>>)
        %add3A_353 = arith.constant 1 : i32
        %add3A_354 = arith.addi %add3A_303, %add3A_353 : i32
        %dma_start3A_355 = arith.constant 1 : i32
        %dma_start3A_356 = arith.constant 0 : i32
        %dma_start3A_357 = arith.constant 0 : i32
        %dma_start3A_358 = tpu.memref_slice %arg9[%dma_start3A_355, %dma_start3A_356, %dma_start3A_357] : memref<3x50x128xf32, #tpu.memory_space<vmem>> -> memref<1x50x128xf32, #tpu.memory_space<vmem>>
        %dma_start3A_359 = tpu.memref_squeeze %dma_start3A_358 : memref<1x50x128xf32, #tpu.memory_space<vmem>> -> memref<50x128xf32, #tpu.memory_space<vmem>>
        %dma_start3A_360 = arith.constant 0 : i32
        %dma_start3A_361 = tpu.memref_slice %arg8[%add3A_354, %dma_start3A_360] : memref<40x50xi32, #tpu.memory_space<vmem>> -> memref<1x50xi32, #tpu.memory_space<vmem>>
        %dma_start3A_362 = tpu.memref_squeeze %dma_start3A_361 : memref<1x50xi32, #tpu.memory_space<vmem>> -> memref<50xi32, #tpu.memory_space<vmem>>
        %dma_start3A_363 = arith.constant 0 : i32
        %dma_start3A_364 = arith.constant 0 : i32
        %dma_start3A_365 = tpu.memref_slice %arg12[%dma_start3A_363, %dma_start3A_364] : memref<10000x128xf32, #tpu.memory_space<vmem_shared>> -> memref<10000x128xf32, #tpu.memory_space<vmem_shared>>
        tpu.enqueue_indirect_dma source(%dma_start3A_359 : memref<50x128xf32, #tpu.memory_space<vmem>>) target(%dma_start3A_365 : memref<10000x128xf32, #tpu.memory_space<vmem_shared>>) offsets(%dma_start3A_362 : memref<50xi32, #tpu.memory_space<vmem>>) semaphore(%arg17 : memref<!tpu.dma_semaphore, #tpu.memory_space<semaphore_mem>>) {add = true}
        %add3A_366 = arith.constant 1 : i32
        %add3A_367 = arith.addi %add3A_303, %add3A_366 : i32
        %scan3A_368 = arith.constant 0 : i32
        %scan3A_369 = arith.constant 3 : i32
        %scan3A_370 = arith.addi %scan3A_368, %scan3A_369 : i32
        %scan3A_371 = arith.constant 1 : i32
        scf.for %scan3A_694 = %scan3A_368 to %scan3A_370 step %scan3A_371  : i32 {
          %mul3A_695 = arith.constant 1 : i32
          %mul3A_696 = arith.muli %scan3A_694, %mul3A_695 : i32
          %add3A_697 = arith.constant 0 : i32
          %add3A_698 = arith.addi %add3A_697, %mul3A_696 : i32
          %mul3A_699 = arith.constant 16 : i32
          %mul3A_700 = arith.muli %add3A_698, %mul3A_699 : i32
          %get3A_701 = arith.index_cast %add3A_367 : i32 to index
          %get3A_702 = arith.index_cast %mul3A_700 : i32 to index
          %get3A_703 = tpu.vector_load %arg8[%get3A_701, %get3A_702] {strides = array<i32>} : memref<40x50xi32, #tpu.memory_space<vmem>>, vector<16xi32>,
          tpu.vector_store_idx %arg10[%get3A_703], %broadcast_in_dim3A_7 {add = true} : memref<10000xf32, #tpu.memory_space<vmem>>[vector<16xi32>], vector<16xf32>,
        }
        %scan3A_372 = arith.constant 3 : i32
        %get3A_373 = arith.index_cast %add3A_367 : i32 to index
        %get3A_374 = arith.constant 34 : index
        %get3A_375 = tpu.vector_load %arg8[%get3A_373, %get3A_374] {strides = array<i32>} : memref<40x50xi32, #tpu.memory_space<vmem>>, vector<16xi32>,
        tpu.vector_store_idx %arg10[%get3A_375], %broadcast_in_dim3A_7 masked %ge3A_34 {add = true} : memref<10000xf32, #tpu.memory_space<vmem>>[vector<16xi32>], vector<16xf32>, vector<16xi1>
        %add3A_376 = arith.constant 2 : i32
        %add3A_377 = arith.addi %add3A_303, %add3A_376 : i32
        %dma_wait3A_378 = arith.constant 2 : i32
        %dma_wait3A_379 = arith.constant 0 : i32
        %dma_wait3A_380 = arith.constant 0 : i32
        %dma_wait3A_381 = tpu.memref_slice %arg9[%dma_wait3A_378, %dma_wait3A_379, %dma_wait3A_380] : memref<3x50x128xf32, #tpu.memory_space<vmem>> -> memref<1x50x128xf32, #tpu.memory_space<vmem>>
        %dma_wait3A_382 = tpu.memref_squeeze %dma_wait3A_381 : memref<1x50x128xf32, #tpu.memory_space<vmem>> -> memref<50x128xf32, #tpu.memory_space<vmem>>
        %dma_wait3A_383 = arith.constant 0 : i32
        %dma_wait3A_384 = tpu.memref_slice %arg7[%add3A_377, %dma_wait3A_383] : memref<40x50xi32, #tpu.memory_space<vmem>> -> memref<1x50xi32, #tpu.memory_space<vmem>>
        %dma_wait3A_385 = tpu.memref_squeeze %dma_wait3A_384 : memref<1x50xi32, #tpu.memory_space<vmem>> -> memref<50xi32, #tpu.memory_space<vmem>>
        %dma_wait3A_386 = arith.constant 0 : i32
        %dma_wait3A_387 = arith.constant 0 : i32
        %dma_wait3A_388 = tpu.memref_slice %arg2[%dma_wait3A_386, %dma_wait3A_387] : memref<10000x128xf32, #tpu.memory_space<hbm>> -> memref<10000x128xf32, #tpu.memory_space<hbm>>
        tpu.wait_indirect_dma semaphore(%arg15 : memref<!tpu.dma_semaphore, #tpu.memory_space<semaphore_mem>>) src(%dma_wait3A_388 : memref<10000x128xf32, #tpu.memory_space<hbm>>) dst(%dma_wait3A_382 : memref<50x128xf32, #tpu.memory_space<vmem>>)
        %add3A_389 = arith.constant 2 : i32
        %add3A_390 = arith.addi %add3A_303, %add3A_389 : i32
        %dma_start3A_391 = arith.constant 2 : i32
        %dma_start3A_392 = arith.constant 0 : i32
        %dma_start3A_393 = arith.constant 0 : i32
        %dma_start3A_394 = tpu.memref_slice %arg9[%dma_start3A_391, %dma_start3A_392, %dma_start3A_393] : memref<3x50x128xf32, #tpu.memory_space<vmem>> -> memref<1x50x128xf32, #tpu.memory_space<vmem>>
        %dma_start3A_395 = tpu.memref_squeeze %dma_start3A_394 : memref<1x50x128xf32, #tpu.memory_space<vmem>> -> memref<50x128xf32, #tpu.memory_space<vmem>>
        %dma_start3A_396 = arith.constant 0 : i32
        %dma_start3A_397 = tpu.memref_slice %arg8[%add3A_390, %dma_start3A_396] : memref<40x50xi32, #tpu.memory_space<vmem>> -> memref<1x50xi32, #tpu.memory_space<vmem>>
        %dma_start3A_398 = tpu.memref_squeeze %dma_start3A_397 : memref<1x50xi32, #tpu.memory_space<vmem>> -> memref<50xi32, #tpu.memory_space<vmem>>
        %dma_start3A_399 = arith.constant 0 : i32
        %dma_start3A_400 = arith.constant 0 : i32
        %dma_start3A_401 = tpu.memref_slice %arg12[%dma_start3A_399, %dma_start3A_400] : memref<10000x128xf32, #tpu.memory_space<vmem_shared>> -> memref<10000x128xf32, #tpu.memory_space<vmem_shared>>
        tpu.enqueue_indirect_dma source(%dma_start3A_395 : memref<50x128xf32, #tpu.memory_space<vmem>>) target(%dma_start3A_401 : memref<10000x128xf32, #tpu.memory_space<vmem_shared>>) offsets(%dma_start3A_398 : memref<50xi32, #tpu.memory_space<vmem>>) semaphore(%arg18 : memref<!tpu.dma_semaphore, #tpu.memory_space<semaphore_mem>>) {add = true}
        %add3A_402 = arith.constant 2 : i32
        %add3A_403 = arith.addi %add3A_303, %add3A_402 : i32
        %scan3A_404 = arith.constant 0 : i32
        %scan3A_405 = arith.constant 3 : i32
        %scan3A_406 = arith.addi %scan3A_404, %scan3A_405 : i32
        %scan3A_407 = arith.constant 1 : i32
        scf.for %scan3A_694 = %scan3A_404 to %scan3A_406 step %scan3A_407  : i32 {
          %mul3A_695 = arith.constant 1 : i32
          %mul3A_696 = arith.muli %scan3A_694, %mul3A_695 : i32
          %add3A_697 = arith.constant 0 : i32
          %add3A_698 = arith.addi %add3A_697, %mul3A_696 : i32
          %mul3A_699 = arith.constant 16 : i32
          %mul3A_700 = arith.muli %add3A_698, %mul3A_699 : i32
          %get3A_701 = arith.index_cast %add3A_403 : i32 to index
          %get3A_702 = arith.index_cast %mul3A_700 : i32 to index
          %get3A_703 = tpu.vector_load %arg8[%get3A_701, %get3A_702] {strides = array<i32>} : memref<40x50xi32, #tpu.memory_space<vmem>>, vector<16xi32>,
          tpu.vector_store_idx %arg10[%get3A_703], %broadcast_in_dim3A_7 {add = true} : memref<10000xf32, #tpu.memory_space<vmem>>[vector<16xi32>], vector<16xf32>,
        }
        %scan3A_408 = arith.constant 3 : i32
        %get3A_409 = arith.index_cast %add3A_403 : i32 to index
        %get3A_410 = arith.constant 34 : index
        %get3A_411 = tpu.vector_load %arg8[%get3A_409, %get3A_410] {strides = array<i32>} : memref<40x50xi32, #tpu.memory_space<vmem>>, vector<16xi32>,
        tpu.vector_store_idx %arg10[%get3A_411], %broadcast_in_dim3A_7 masked %ge3A_34 {add = true} : memref<10000xf32, #tpu.memory_space<vmem>>[vector<16xi32>], vector<16xf32>, vector<16xi1>
        %add3A_412 = arith.constant 0 : i32
        %add3A_413 = arith.addi %add3A_303, %add3A_412 : i32
        %dma_wait3A_414 = arith.constant 0 : i32
        %dma_wait3A_415 = arith.constant 0 : i32
        %dma_wait3A_416 = arith.constant 0 : i32
        %dma_wait3A_417 = tpu.memref_slice %arg9[%dma_wait3A_414, %dma_wait3A_415, %dma_wait3A_416] : memref<3x50x128xf32, #tpu.memory_space<vmem>> -> memref<1x50x128xf32, #tpu.memory_space<vmem>>
        %dma_wait3A_418 = tpu.memref_squeeze %dma_wait3A_417 : memref<1x50x128xf32, #tpu.memory_space<vmem>> -> memref<50x128xf32, #tpu.memory_space<vmem>>
        %dma_wait3A_419 = arith.constant 0 : i32
        %dma_wait3A_420 = tpu.memref_slice %arg8[%add3A_413, %dma_wait3A_419] : memref<40x50xi32, #tpu.memory_space<vmem>> -> memref<1x50xi32, #tpu.memory_space<vmem>>
        %dma_wait3A_421 = tpu.memref_squeeze %dma_wait3A_420 : memref<1x50xi32, #tpu.memory_space<vmem>> -> memref<50xi32, #tpu.memory_space<vmem>>
        %dma_wait3A_422 = arith.constant 0 : i32
        %dma_wait3A_423 = arith.constant 0 : i32
        %dma_wait3A_424 = tpu.memref_slice %arg12[%dma_wait3A_422, %dma_wait3A_423] : memref<10000x128xf32, #tpu.memory_space<vmem_shared>> -> memref<10000x128xf32, #tpu.memory_space<vmem_shared>>
        tpu.wait_indirect_dma semaphore(%arg16 : memref<!tpu.dma_semaphore, #tpu.memory_space<semaphore_mem>>) src(%dma_wait3A_418 : memref<50x128xf32, #tpu.memory_space<vmem>>) dst(%dma_wait3A_424 : memref<10000x128xf32, #tpu.memory_space<vmem_shared>>)
        %add3A_425 = arith.constant 0 : i32
        %add3A_426 = arith.addi %add3A_303, %add3A_425 : i32
        %add3A_427 = arith.constant 3 : i32
        %add3A_428 = arith.addi %add3A_426, %add3A_427 : i32
        %dma_start3A_429 = arith.constant 0 : i32
        %dma_start3A_430 = arith.constant 0 : i32
        %dma_start3A_431 = arith.constant 0 : i32
        %dma_start3A_432 = tpu.memref_slice %arg9[%dma_start3A_429, %dma_start3A_430, %dma_start3A_431] : memref<3x50x128xf32, #tpu.memory_space<vmem>> -> memref<1x50x128xf32, #tpu.memory_space<vmem>>
        %dma_start3A_433 = tpu.memref_squeeze %dma_start3A_432 : memref<1x50x128xf32, #tpu.memory_space<vmem>> -> memref<50x128xf32, #tpu.memory_space<vmem>>
        %dma_start3A_434 = arith.constant 0 : i32
        %dma_start3A_435 = tpu.memref_slice %arg7[%add3A_428, %dma_start3A_434] : memref<40x50xi32, #tpu.memory_space<vmem>> -> memref<1x50xi32, #tpu.memory_space<vmem>>
        %dma_start3A_436 = tpu.memref_squeeze %dma_start3A_435 : memref<1x50xi32, #tpu.memory_space<vmem>> -> memref<50xi32, #tpu.memory_space<vmem>>
        %dma_start3A_437 = arith.constant 0 : i32
        %dma_start3A_438 = arith.constant 0 : i32
        %dma_start3A_439 = tpu.memref_slice %arg2[%dma_start3A_437, %dma_start3A_438] : memref<10000x128xf32, #tpu.memory_space<hbm>> -> memref<10000x128xf32, #tpu.memory_space<hbm>>
        tpu.enqueue_indirect_dma source(%dma_start3A_439 : memref<10000x128xf32, #tpu.memory_space<hbm>>) target(%dma_start3A_433 : memref<50x128xf32, #tpu.memory_space<vmem>>) offsets(%dma_start3A_436 : memref<50xi32, #tpu.memory_space<vmem>>) semaphore(%arg13 : memref<!tpu.dma_semaphore, #tpu.memory_space<semaphore_mem>>)
        %add3A_440 = arith.constant 1 : i32
        %add3A_441 = arith.addi %add3A_303, %add3A_440 : i32
        %dma_wait3A_442 = arith.constant 1 : i32
        %dma_wait3A_443 = arith.constant 0 : i32
        %dma_wait3A_444 = arith.constant 0 : i32
        %dma_wait3A_445 = tpu.memref_slice %arg9[%dma_wait3A_442, %dma_wait3A_443, %dma_wait3A_444] : memref<3x50x128xf32, #tpu.memory_space<vmem>> -> memref<1x50x128xf32, #tpu.memory_space<vmem>>
        %dma_wait3A_446 = tpu.memref_squeeze %dma_wait3A_445 : memref<1x50x128xf32, #tpu.memory_space<vmem>> -> memref<50x128xf32, #tpu.memory_space<vmem>>
        %dma_wait3A_447 = arith.constant 0 : i32
        %dma_wait3A_448 = tpu.memref_slice %arg8[%add3A_441, %dma_wait3A_447] : memref<40x50xi32, #tpu.memory_space<vmem>> -> memref<1x50xi32, #tpu.memory_space<vmem>>
        %dma_wait3A_449 = tpu.memref_squeeze %dma_wait3A_448 : memref<1x50xi32, #tpu.memory_space<vmem>> -> memref<50xi32, #tpu.memory_space<vmem>>
        %dma_wait3A_450 = arith.constant 0 : i32
        %dma_wait3A_451 = arith.constant 0 : i32
        %dma_wait3A_452 = tpu.memref_slice %arg12[%dma_wait3A_450, %dma_wait3A_451] : memref<10000x128xf32, #tpu.memory_space<vmem_shared>> -> memref<10000x128xf32, #tpu.memory_space<vmem_shared>>
        tpu.wait_indirect_dma semaphore(%arg17 : memref<!tpu.dma_semaphore, #tpu.memory_space<semaphore_mem>>) src(%dma_wait3A_446 : memref<50x128xf32, #tpu.memory_space<vmem>>) dst(%dma_wait3A_452 : memref<10000x128xf32, #tpu.memory_space<vmem_shared>>)
        %add3A_453 = arith.constant 1 : i32
        %add3A_454 = arith.addi %add3A_303, %add3A_453 : i32
        %add3A_455 = arith.constant 3 : i32
        %add3A_456 = arith.addi %add3A_454, %add3A_455 : i32
        %dma_start3A_457 = arith.constant 1 : i32
        %dma_start3A_458 = arith.constant 0 : i32
        %dma_start3A_459 = arith.constant 0 : i32
        %dma_start3A_460 = tpu.memref_slice %arg9[%dma_start3A_457, %dma_start3A_458, %dma_start3A_459] : memref<3x50x128xf32, #tpu.memory_space<vmem>> -> memref<1x50x128xf32, #tpu.memory_space<vmem>>
        %dma_start3A_461 = tpu.memref_squeeze %dma_start3A_460 : memref<1x50x128xf32, #tpu.memory_space<vmem>> -> memref<50x128xf32, #tpu.memory_space<vmem>>
        %dma_start3A_462 = arith.constant 0 : i32
        %dma_start3A_463 = tpu.memref_slice %arg7[%add3A_456, %dma_start3A_462] : memref<40x50xi32, #tpu.memory_space<vmem>> -> memref<1x50xi32, #tpu.memory_space<vmem>>
        %dma_start3A_464 = tpu.memref_squeeze %dma_start3A_463 : memref<1x50xi32, #tpu.memory_space<vmem>> -> memref<50xi32, #tpu.memory_space<vmem>>
        %dma_start3A_465 = arith.constant 0 : i32
        %dma_start3A_466 = arith.constant 0 : i32
        %dma_start3A_467 = tpu.memref_slice %arg2[%dma_start3A_465, %dma_start3A_466] : memref<10000x128xf32, #tpu.memory_space<hbm>> -> memref<10000x128xf32, #tpu.memory_space<hbm>>
        tpu.enqueue_indirect_dma source(%dma_start3A_467 : memref<10000x128xf32, #tpu.memory_space<hbm>>) target(%dma_start3A_461 : memref<50x128xf32, #tpu.memory_space<vmem>>) offsets(%dma_start3A_464 : memref<50xi32, #tpu.memory_space<vmem>>) semaphore(%arg14 : memref<!tpu.dma_semaphore, #tpu.memory_space<semaphore_mem>>)
        %add3A_468 = arith.constant 2 : i32
        %add3A_469 = arith.addi %add3A_303, %add3A_468 : i32
        %dma_wait3A_470 = arith.constant 2 : i32
        %dma_wait3A_471 = arith.constant 0 : i32
        %dma_wait3A_472 = arith.constant 0 : i32
        %dma_wait3A_473 = tpu.memref_slice %arg9[%dma_wait3A_470, %dma_wait3A_471, %dma_wait3A_472] : memref<3x50x128xf32, #tpu.memory_space<vmem>> -> memref<1x50x128xf32, #tpu.memory_space<vmem>>
        %dma_wait3A_474 = tpu.memref_squeeze %dma_wait3A_473 : memref<1x50x128xf32, #tpu.memory_space<vmem>> -> memref<50x128xf32, #tpu.memory_space<vmem>>
        %dma_wait3A_475 = arith.constant 0 : i32
        %dma_wait3A_476 = tpu.memref_slice %arg8[%add3A_469, %dma_wait3A_475] : memref<40x50xi32, #tpu.memory_space<vmem>> -> memref<1x50xi32, #tpu.memory_space<vmem>>
        %dma_wait3A_477 = tpu.memref_squeeze %dma_wait3A_476 : memref<1x50xi32, #tpu.memory_space<vmem>> -> memref<50xi32, #tpu.memory_space<vmem>>
        %dma_wait3A_478 = arith.constant 0 : i32
        %dma_wait3A_479 = arith.constant 0 : i32
        %dma_wait3A_480 = tpu.memref_slice %arg12[%dma_wait3A_478, %dma_wait3A_479] : memref<10000x128xf32, #tpu.memory_space<vmem_shared>> -> memref<10000x128xf32, #tpu.memory_space<vmem_shared>>
        tpu.wait_indirect_dma semaphore(%arg18 : memref<!tpu.dma_semaphore, #tpu.memory_space<semaphore_mem>>) src(%dma_wait3A_474 : memref<50x128xf32, #tpu.memory_space<vmem>>) dst(%dma_wait3A_480 : memref<10000x128xf32, #tpu.memory_space<vmem_shared>>)
        %add3A_481 = arith.constant 2 : i32
        %add3A_482 = arith.addi %add3A_303, %add3A_481 : i32
        %add3A_483 = arith.constant 3 : i32
        %add3A_484 = arith.addi %add3A_482, %add3A_483 : i32
        %dma_start3A_485 = arith.constant 2 : i32
        %dma_start3A_486 = arith.constant 0 : i32
        %dma_start3A_487 = arith.constant 0 : i32
        %dma_start3A_488 = tpu.memref_slice %arg9[%dma_start3A_485, %dma_start3A_486, %dma_start3A_487] : memref<3x50x128xf32, #tpu.memory_space<vmem>> -> memref<1x50x128xf32, #tpu.memory_space<vmem>>
        %dma_start3A_489 = tpu.memref_squeeze %dma_start3A_488 : memref<1x50x128xf32, #tpu.memory_space<vmem>> -> memref<50x128xf32, #tpu.memory_space<vmem>>
        %dma_start3A_490 = arith.constant 0 : i32
        %dma_start3A_491 = tpu.memref_slice %arg7[%add3A_484, %dma_start3A_490] : memref<40x50xi32, #tpu.memory_space<vmem>> -> memref<1x50xi32, #tpu.memory_space<vmem>>
        %dma_start3A_492 = tpu.memref_squeeze %dma_start3A_491 : memref<1x50xi32, #tpu.memory_space<vmem>> -> memref<50xi32, #tpu.memory_space<vmem>>
        %dma_start3A_493 = arith.constant 0 : i32
        %dma_start3A_494 = arith.constant 0 : i32
        %dma_start3A_495 = tpu.memref_slice %arg2[%dma_start3A_493, %dma_start3A_494] : memref<10000x128xf32, #tpu.memory_space<hbm>> -> memref<10000x128xf32, #tpu.memory_space<hbm>>
        tpu.enqueue_indirect_dma source(%dma_start3A_495 : memref<10000x128xf32, #tpu.memory_space<hbm>>) target(%dma_start3A_489 : memref<50x128xf32, #tpu.memory_space<vmem>>) offsets(%dma_start3A_492 : memref<50xi32, #tpu.memory_space<vmem>>) semaphore(%arg15 : memref<!tpu.dma_semaphore, #tpu.memory_space<semaphore_mem>>)
        %scan3A_496 = arith.constant 1 : i32
        %scan3A_497 = arith.addi %scan3A_299, %scan3A_496 : i32
        %mul3A_498 = arith.constant 3 : i32
        %mul3A_499 = arith.muli %scan3A_497, %mul3A_498 : i32
        %add3A_500 = arith.constant 0 : i32
        %add3A_501 = arith.addi %add3A_500, %mul3A_499 : i32
        %add3A_502 = arith.constant 0 : i32
        %add3A_503 = arith.addi %add3A_501, %add3A_502 : i32
        %dma_wait3A_504 = arith.constant 0 : i32
        %dma_wait3A_505 = arith.constant 0 : i32
        %dma_wait3A_506 = arith.constant 0 : i32
        %dma_wait3A_507 = tpu.memref_slice %arg9[%dma_wait3A_504, %dma_wait3A_505, %dma_wait3A_506] : memref<3x50x128xf32, #tpu.memory_space<vmem>> -> memref<1x50x128xf32, #tpu.memory_space<vmem>>
        %dma_wait3A_508 = tpu.memref_squeeze %dma_wait3A_507 : memref<1x50x128xf32, #tpu.memory_space<vmem>> -> memref<50x128xf32, #tpu.memory_space<vmem>>
        %dma_wait3A_509 = arith.constant 0 : i32
        %dma_wait3A_510 = tpu.memref_slice %arg7[%add3A_503, %dma_wait3A_509] : memref<40x50xi32, #tpu.memory_space<vmem>> -> memref<1x50xi32, #tpu.memory_space<vmem>>
        %dma_wait3A_511 = tpu.memref_squeeze %dma_wait3A_510 : memref<1x50xi32, #tpu.memory_space<vmem>> -> memref<50xi32, #tpu.memory_space<vmem>>
        %dma_wait3A_512 = arith.constant 0 : i32
        %dma_wait3A_513 = arith.constant 0 : i32
        %dma_wait3A_514 = tpu.memref_slice %arg2[%dma_wait3A_512, %dma_wait3A_513] : memref<10000x128xf32, #tpu.memory_space<hbm>> -> memref<10000x128xf32, #tpu.memory_space<hbm>>
        tpu.wait_indirect_dma semaphore(%arg13 : memref<!tpu.dma_semaphore, #tpu.memory_space<semaphore_mem>>) src(%dma_wait3A_514 : memref<10000x128xf32, #tpu.memory_space<hbm>>) dst(%dma_wait3A_508 : memref<50x128xf32, #tpu.memory_space<vmem>>)
        %add3A_515 = arith.constant 0 : i32
        %add3A_516 = arith.addi %add3A_501, %add3A_515 : i32
        %dma_start3A_517 = arith.constant 0 : i32
        %dma_start3A_518 = arith.constant 0 : i32
        %dma_start3A_519 = arith.constant 0 : i32
        %dma_start3A_520 = tpu.memref_slice %arg9[%dma_start3A_517, %dma_start3A_518, %dma_start3A_519] : memref<3x50x128xf32, #tpu.memory_space<vmem>> -> memref<1x50x128xf32, #tpu.memory_space<vmem>>
        %dma_start3A_521 = tpu.memref_squeeze %dma_start3A_520 : memref<1x50x128xf32, #tpu.memory_space<vmem>> -> memref<50x128xf32, #tpu.memory_space<vmem>>
        %dma_start3A_522 = arith.constant 0 : i32
        %dma_start3A_523 = tpu.memref_slice %arg8[%add3A_516, %dma_start3A_522] : memref<40x50xi32, #tpu.memory_space<vmem>> -> memref<1x50xi32, #tpu.memory_space<vmem>>
        %dma_start3A_524 = tpu.memref_squeeze %dma_start3A_523 : memref<1x50xi32, #tpu.memory_space<vmem>> -> memref<50xi32, #tpu.memory_space<vmem>>
        %dma_start3A_525 = arith.constant 0 : i32
        %dma_start3A_526 = arith.constant 0 : i32
        %dma_start3A_527 = tpu.memref_slice %arg12[%dma_start3A_525, %dma_start3A_526] : memref<10000x128xf32, #tpu.memory_space<vmem_shared>> -> memref<10000x128xf32, #tpu.memory_space<vmem_shared>>
        tpu.enqueue_indirect_dma source(%dma_start3A_521 : memref<50x128xf32, #tpu.memory_space<vmem>>) target(%dma_start3A_527 : memref<10000x128xf32, #tpu.memory_space<vmem_shared>>) offsets(%dma_start3A_524 : memref<50xi32, #tpu.memory_space<vmem>>) semaphore(%arg16 : memref<!tpu.dma_semaphore, #tpu.memory_space<semaphore_mem>>) {add = true}
        %add3A_528 = arith.constant 0 : i32
        %add3A_529 = arith.addi %add3A_501, %add3A_528 : i32
        %scan3A_530 = arith.constant 0 : i32
        %scan3A_531 = arith.constant 3 : i32
        %scan3A_532 = arith.addi %scan3A_530, %scan3A_531 : i32
        %scan3A_533 = arith.constant 1 : i32
        scf.for %scan3A_694 = %scan3A_530 to %scan3A_532 step %scan3A_533  : i32 {
          %mul3A_695 = arith.constant 1 : i32
          %mul3A_696 = arith.muli %scan3A_694, %mul3A_695 : i32
          %add3A_697 = arith.constant 0 : i32
          %add3A_698 = arith.addi %add3A_697, %mul3A_696 : i32
          %mul3A_699 = arith.constant 16 : i32
          %mul3A_700 = arith.muli %add3A_698, %mul3A_699 : i32
          %get3A_701 = arith.index_cast %add3A_529 : i32 to index
          %get3A_702 = arith.index_cast %mul3A_700 : i32 to index
          %get3A_703 = tpu.vector_load %arg8[%get3A_701, %get3A_702] {strides = array<i32>} : memref<40x50xi32, #tpu.memory_space<vmem>>, vector<16xi32>,
          tpu.vector_store_idx %arg10[%get3A_703], %broadcast_in_dim3A_7 {add = true} : memref<10000xf32, #tpu.memory_space<vmem>>[vector<16xi32>], vector<16xf32>,
        }
        %scan3A_534 = arith.constant 3 : i32
        %get3A_535 = arith.index_cast %add3A_529 : i32 to index
        %get3A_536 = arith.constant 34 : index
        %get3A_537 = tpu.vector_load %arg8[%get3A_535, %get3A_536] {strides = array<i32>} : memref<40x50xi32, #tpu.memory_space<vmem>>, vector<16xi32>,
        tpu.vector_store_idx %arg10[%get3A_537], %broadcast_in_dim3A_7 masked %ge3A_34 {add = true} : memref<10000xf32, #tpu.memory_space<vmem>>[vector<16xi32>], vector<16xf32>, vector<16xi1>
        %add3A_538 = arith.constant 1 : i32
        %add3A_539 = arith.addi %add3A_501, %add3A_538 : i32
        %dma_wait3A_540 = arith.constant 1 : i32
        %dma_wait3A_541 = arith.constant 0 : i32
        %dma_wait3A_542 = arith.constant 0 : i32
        %dma_wait3A_543 = tpu.memref_slice %arg9[%dma_wait3A_540, %dma_wait3A_541, %dma_wait3A_542] : memref<3x50x128xf32, #tpu.memory_space<vmem>> -> memref<1x50x128xf32, #tpu.memory_space<vmem>>
        %dma_wait3A_544 = tpu.memref_squeeze %dma_wait3A_543 : memref<1x50x128xf32, #tpu.memory_space<vmem>> -> memref<50x128xf32, #tpu.memory_space<vmem>>
        %dma_wait3A_545 = arith.constant 0 : i32
        %dma_wait3A_546 = tpu.memref_slice %arg7[%add3A_539, %dma_wait3A_545] : memref<40x50xi32, #tpu.memory_space<vmem>> -> memref<1x50xi32, #tpu.memory_space<vmem>>
        %dma_wait3A_547 = tpu.memref_squeeze %dma_wait3A_546 : memref<1x50xi32, #tpu.memory_space<vmem>> -> memref<50xi32, #tpu.memory_space<vmem>>
        %dma_wait3A_548 = arith.constant 0 : i32
        %dma_wait3A_549 = arith.constant 0 : i32
        %dma_wait3A_550 = tpu.memref_slice %arg2[%dma_wait3A_548, %dma_wait3A_549] : memref<10000x128xf32, #tpu.memory_space<hbm>> -> memref<10000x128xf32, #tpu.memory_space<hbm>>
        tpu.wait_indirect_dma semaphore(%arg14 : memref<!tpu.dma_semaphore, #tpu.memory_space<semaphore_mem>>) src(%dma_wait3A_550 : memref<10000x128xf32, #tpu.memory_space<hbm>>) dst(%dma_wait3A_544 : memref<50x128xf32, #tpu.memory_space<vmem>>)
        %add3A_551 = arith.constant 1 : i32
        %add3A_552 = arith.addi %add3A_501, %add3A_551 : i32
        %dma_start3A_553 = arith.constant 1 : i32
        %dma_start3A_554 = arith.constant 0 : i32
        %dma_start3A_555 = arith.constant 0 : i32
        %dma_start3A_556 = tpu.memref_slice %arg9[%dma_start3A_553, %dma_start3A_554, %dma_start3A_555] : memref<3x50x128xf32, #tpu.memory_space<vmem>> -> memref<1x50x128xf32, #tpu.memory_space<vmem>>
        %dma_start3A_557 = tpu.memref_squeeze %dma_start3A_556 : memref<1x50x128xf32, #tpu.memory_space<vmem>> -> memref<50x128xf32, #tpu.memory_space<vmem>>
        %dma_start3A_558 = arith.constant 0 : i32
        %dma_start3A_559 = tpu.memref_slice %arg8[%add3A_552, %dma_start3A_558] : memref<40x50xi32, #tpu.memory_space<vmem>> -> memref<1x50xi32, #tpu.memory_space<vmem>>
        %dma_start3A_560 = tpu.memref_squeeze %dma_start3A_559 : memref<1x50xi32, #tpu.memory_space<vmem>> -> memref<50xi32, #tpu.memory_space<vmem>>
        %dma_start3A_561 = arith.constant 0 : i32
        %dma_start3A_562 = arith.constant 0 : i32
        %dma_start3A_563 = tpu.memref_slice %arg12[%dma_start3A_561, %dma_start3A_562] : memref<10000x128xf32, #tpu.memory_space<vmem_shared>> -> memref<10000x128xf32, #tpu.memory_space<vmem_shared>>
        tpu.enqueue_indirect_dma source(%dma_start3A_557 : memref<50x128xf32, #tpu.memory_space<vmem>>) target(%dma_start3A_563 : memref<10000x128xf32, #tpu.memory_space<vmem_shared>>) offsets(%dma_start3A_560 : memref<50xi32, #tpu.memory_space<vmem>>) semaphore(%arg17 : memref<!tpu.dma_semaphore, #tpu.memory_space<semaphore_mem>>) {add = true}
        %add3A_564 = arith.constant 1 : i32
        %add3A_565 = arith.addi %add3A_501, %add3A_564 : i32
        %scan3A_566 = arith.constant 0 : i32
        %scan3A_567 = arith.constant 3 : i32
        %scan3A_568 = arith.addi %scan3A_566, %scan3A_567 : i32
        %scan3A_569 = arith.constant 1 : i32
        scf.for %scan3A_694 = %scan3A_566 to %scan3A_568 step %scan3A_569  : i32 {
          %mul3A_695 = arith.constant 1 : i32
          %mul3A_696 = arith.muli %scan3A_694, %mul3A_695 : i32
          %add3A_697 = arith.constant 0 : i32
          %add3A_698 = arith.addi %add3A_697, %mul3A_696 : i32
          %mul3A_699 = arith.constant 16 : i32
          %mul3A_700 = arith.muli %add3A_698, %mul3A_699 : i32
          %get3A_701 = arith.index_cast %add3A_565 : i32 to index
          %get3A_702 = arith.index_cast %mul3A_700 : i32 to index
          %get3A_703 = tpu.vector_load %arg8[%get3A_701, %get3A_702] {strides = array<i32>} : memref<40x50xi32, #tpu.memory_space<vmem>>, vector<16xi32>,
          tpu.vector_store_idx %arg10[%get3A_703], %broadcast_in_dim3A_7 {add = true} : memref<10000xf32, #tpu.memory_space<vmem>>[vector<16xi32>], vector<16xf32>,
        }
        %scan3A_570 = arith.constant 3 : i32
        %get3A_571 = arith.index_cast %add3A_565 : i32 to index
        %get3A_572 = arith.constant 34 : index
        %get3A_573 = tpu.vector_load %arg8[%get3A_571, %get3A_572] {strides = array<i32>} : memref<40x50xi32, #tpu.memory_space<vmem>>, vector<16xi32>,
        tpu.vector_store_idx %arg10[%get3A_573], %broadcast_in_dim3A_7 masked %ge3A_34 {add = true} : memref<10000xf32, #tpu.memory_space<vmem>>[vector<16xi32>], vector<16xf32>, vector<16xi1>
        %add3A_574 = arith.constant 2 : i32
        %add3A_575 = arith.addi %add3A_501, %add3A_574 : i32
        %dma_wait3A_576 = arith.constant 2 : i32
        %dma_wait3A_577 = arith.constant 0 : i32
        %dma_wait3A_578 = arith.constant 0 : i32
        %dma_wait3A_579 = tpu.memref_slice %arg9[%dma_wait3A_576, %dma_wait3A_577, %dma_wait3A_578] : memref<3x50x128xf32, #tpu.memory_space<vmem>> -> memref<1x50x128xf32, #tpu.memory_space<vmem>>
        %dma_wait3A_580 = tpu.memref_squeeze %dma_wait3A_579 : memref<1x50x128xf32, #tpu.memory_space<vmem>> -> memref<50x128xf32, #tpu.memory_space<vmem>>
        %dma_wait3A_581 = arith.constant 0 : i32
        %dma_wait3A_582 = tpu.memref_slice %arg7[%add3A_575, %dma_wait3A_581] : memref<40x50xi32, #tpu.memory_space<vmem>> -> memref<1x50xi32, #tpu.memory_space<vmem>>
        %dma_wait3A_583 = tpu.memref_squeeze %dma_wait3A_582 : memref<1x50xi32, #tpu.memory_space<vmem>> -> memref<50xi32, #tpu.memory_space<vmem>>
        %dma_wait3A_584 = arith.constant 0 : i32
        %dma_wait3A_585 = arith.constant 0 : i32
        %dma_wait3A_586 = tpu.memref_slice %arg2[%dma_wait3A_584, %dma_wait3A_585] : memref<10000x128xf32, #tpu.memory_space<hbm>> -> memref<10000x128xf32, #tpu.memory_space<hbm>>
        tpu.wait_indirect_dma semaphore(%arg15 : memref<!tpu.dma_semaphore, #tpu.memory_space<semaphore_mem>>) src(%dma_wait3A_586 : memref<10000x128xf32, #tpu.memory_space<hbm>>) dst(%dma_wait3A_580 : memref<50x128xf32, #tpu.memory_space<vmem>>)
        %add3A_587 = arith.constant 2 : i32
        %add3A_588 = arith.addi %add3A_501, %add3A_587 : i32
        %dma_start3A_589 = arith.constant 2 : i32
        %dma_start3A_590 = arith.constant 0 : i32
        %dma_start3A_591 = arith.constant 0 : i32
        %dma_start3A_592 = tpu.memref_slice %arg9[%dma_start3A_589, %dma_start3A_590, %dma_start3A_591] : memref<3x50x128xf32, #tpu.memory_space<vmem>> -> memref<1x50x128xf32, #tpu.memory_space<vmem>>
        %dma_start3A_593 = tpu.memref_squeeze %dma_start3A_592 : memref<1x50x128xf32, #tpu.memory_space<vmem>> -> memref<50x128xf32, #tpu.memory_space<vmem>>
        %dma_start3A_594 = arith.constant 0 : i32
        %dma_start3A_595 = tpu.memref_slice %arg8[%add3A_588, %dma_start3A_594] : memref<40x50xi32, #tpu.memory_space<vmem>> -> memref<1x50xi32, #tpu.memory_space<vmem>>
        %dma_start3A_596 = tpu.memref_squeeze %dma_start3A_595 : memref<1x50xi32, #tpu.memory_space<vmem>> -> memref<50xi32, #tpu.memory_space<vmem>>
        %dma_start3A_597 = arith.constant 0 : i32
        %dma_start3A_598 = arith.constant 0 : i32
        %dma_start3A_599 = tpu.memref_slice %arg12[%dma_start3A_597, %dma_start3A_598] : memref<10000x128xf32, #tpu.memory_space<vmem_shared>> -> memref<10000x128xf32, #tpu.memory_space<vmem_shared>>
        tpu.enqueue_indirect_dma source(%dma_start3A_593 : memref<50x128xf32, #tpu.memory_space<vmem>>) target(%dma_start3A_599 : memref<10000x128xf32, #tpu.memory_space<vmem_shared>>) offsets(%dma_start3A_596 : memref<50xi32, #tpu.memory_space<vmem>>) semaphore(%arg18 : memref<!tpu.dma_semaphore, #tpu.memory_space<semaphore_mem>>) {add = true}
        %add3A_600 = arith.constant 2 : i32
        %add3A_601 = arith.addi %add3A_501, %add3A_600 : i32
        %scan3A_602 = arith.constant 0 : i32
        %scan3A_603 = arith.constant 3 : i32
        %scan3A_604 = arith.addi %scan3A_602, %scan3A_603 : i32
        %scan3A_605 = arith.constant 1 : i32
        scf.for %scan3A_694 = %scan3A_602 to %scan3A_604 step %scan3A_605  : i32 {
          %mul3A_695 = arith.constant 1 : i32
          %mul3A_696 = arith.muli %scan3A_694, %mul3A_695 : i32
          %add3A_697 = arith.constant 0 : i32
          %add3A_698 = arith.addi %add3A_697, %mul3A_696 : i32
          %mul3A_699 = arith.constant 16 : i32
          %mul3A_700 = arith.muli %add3A_698, %mul3A_699 : i32
          %get3A_701 = arith.index_cast %add3A_601 : i32 to index
          %get3A_702 = arith.index_cast %mul3A_700 : i32 to index
          %get3A_703 = tpu.vector_load %arg8[%get3A_701, %get3A_702] {strides = array<i32>} : memref<40x50xi32, #tpu.memory_space<vmem>>, vector<16xi32>,
          tpu.vector_store_idx %arg10[%get3A_703], %broadcast_in_dim3A_7 {add = true} : memref<10000xf32, #tpu.memory_space<vmem>>[vector<16xi32>], vector<16xf32>,
        }
        %scan3A_606 = arith.constant 3 : i32
        %get3A_607 = arith.index_cast %add3A_601 : i32 to index
        %get3A_608 = arith.constant 34 : index
        %get3A_609 = tpu.vector_load %arg8[%get3A_607, %get3A_608] {strides = array<i32>} : memref<40x50xi32, #tpu.memory_space<vmem>>, vector<16xi32>,
        tpu.vector_store_idx %arg10[%get3A_609], %broadcast_in_dim3A_7 masked %ge3A_34 {add = true} : memref<10000xf32, #tpu.memory_space<vmem>>[vector<16xi32>], vector<16xf32>, vector<16xi1>
        %add3A_610 = arith.constant 0 : i32
        %add3A_611 = arith.addi %add3A_501, %add3A_610 : i32
        %dma_wait3A_612 = arith.constant 0 : i32
        %dma_wait3A_613 = arith.constant 0 : i32
        %dma_wait3A_614 = arith.constant 0 : i32
        %dma_wait3A_615 = tpu.memref_slice %arg9[%dma_wait3A_612, %dma_wait3A_613, %dma_wait3A_614] : memref<3x50x128xf32, #tpu.memory_space<vmem>> -> memref<1x50x128xf32, #tpu.memory_space<vmem>>
        %dma_wait3A_616 = tpu.memref_squeeze %dma_wait3A_615 : memref<1x50x128xf32, #tpu.memory_space<vmem>> -> memref<50x128xf32, #tpu.memory_space<vmem>>
        %dma_wait3A_617 = arith.constant 0 : i32
        %dma_wait3A_618 = tpu.memref_slice %arg8[%add3A_611, %dma_wait3A_617] : memref<40x50xi32, #tpu.memory_space<vmem>> -> memref<1x50xi32, #tpu.memory_space<vmem>>
        %dma_wait3A_619 = tpu.memref_squeeze %dma_wait3A_618 : memref<1x50xi32, #tpu.memory_space<vmem>> -> memref<50xi32, #tpu.memory_space<vmem>>
        %dma_wait3A_620 = arith.constant 0 : i32
        %dma_wait3A_621 = arith.constant 0 : i32
        %dma_wait3A_622 = tpu.memref_slice %arg12[%dma_wait3A_620, %dma_wait3A_621] : memref<10000x128xf32, #tpu.memory_space<vmem_shared>> -> memref<10000x128xf32, #tpu.memory_space<vmem_shared>>
        tpu.wait_indirect_dma semaphore(%arg16 : memref<!tpu.dma_semaphore, #tpu.memory_space<semaphore_mem>>) src(%dma_wait3A_616 : memref<50x128xf32, #tpu.memory_space<vmem>>) dst(%dma_wait3A_622 : memref<10000x128xf32, #tpu.memory_space<vmem_shared>>)
        %add3A_623 = arith.constant 0 : i32
        %add3A_624 = arith.addi %add3A_501, %add3A_623 : i32
        %add3A_625 = arith.constant 3 : i32
        %add3A_626 = arith.addi %add3A_624, %add3A_625 : i32
        %dma_start3A_627 = arith.constant 0 : i32
        %dma_start3A_628 = arith.constant 0 : i32
        %dma_start3A_629 = arith.constant 0 : i32
        %dma_start3A_630 = tpu.memref_slice %arg9[%dma_start3A_627, %dma_start3A_628, %dma_start3A_629] : memref<3x50x128xf32, #tpu.memory_space<vmem>> -> memref<1x50x128xf32, #tpu.memory_space<vmem>>
        %dma_start3A_631 = tpu.memref_squeeze %dma_start3A_630 : memref<1x50x128xf32, #tpu.memory_space<vmem>> -> memref<50x128xf32, #tpu.memory_space<vmem>>
        %dma_start3A_632 = arith.constant 0 : i32
        %dma_start3A_633 = tpu.memref_slice %arg7[%add3A_626, %dma_start3A_632] : memref<40x50xi32, #tpu.memory_space<vmem>> -> memref<1x50xi32, #tpu.memory_space<vmem>>
        %dma_start3A_634 = tpu.memref_squeeze %dma_start3A_633 : memref<1x50xi32, #tpu.memory_space<vmem>> -> memref<50xi32, #tpu.memory_space<vmem>>
        %dma_start3A_635 = arith.constant 0 : i32
        %dma_start3A_636 = arith.constant 0 : i32
        %dma_start3A_637 = tpu.memref_slice %arg2[%dma_start3A_635, %dma_start3A_636] : memref<10000x128xf32, #tpu.memory_space<hbm>> -> memref<10000x128xf32, #tpu.memory_space<hbm>>
        tpu.enqueue_indirect_dma source(%dma_start3A_637 : memref<10000x128xf32, #tpu.memory_space<hbm>>) target(%dma_start3A_631 : memref<50x128xf32, #tpu.memory_space<vmem>>) offsets(%dma_start3A_634 : memref<50xi32, #tpu.memory_space<vmem>>) semaphore(%arg13 : memref<!tpu.dma_semaphore, #tpu.memory_space<semaphore_mem>>)
        %add3A_638 = arith.constant 1 : i32
        %add3A_639 = arith.addi %add3A_501, %add3A_638 : i32
        %dma_wait3A_640 = arith.constant 1 : i32
        %dma_wait3A_641 = arith.constant 0 : i32
        %dma_wait3A_642 = arith.constant 0 : i32
        %dma_wait3A_643 = tpu.memref_slice %arg9[%dma_wait3A_640, %dma_wait3A_641, %dma_wait3A_642] : memref<3x50x128xf32, #tpu.memory_space<vmem>> -> memref<1x50x128xf32, #tpu.memory_space<vmem>>
        %dma_wait3A_644 = tpu.memref_squeeze %dma_wait3A_643 : memref<1x50x128xf32, #tpu.memory_space<vmem>> -> memref<50x128xf32, #tpu.memory_space<vmem>>
        %dma_wait3A_645 = arith.constant 0 : i32
        %dma_wait3A_646 = tpu.memref_slice %arg8[%add3A_639, %dma_wait3A_645] : memref<40x50xi32, #tpu.memory_space<vmem>> -> memref<1x50xi32, #tpu.memory_space<vmem>>
        %dma_wait3A_647 = tpu.memref_squeeze %dma_wait3A_646 : memref<1x50xi32, #tpu.memory_space<vmem>> -> memref<50xi32, #tpu.memory_space<vmem>>
        %dma_wait3A_648 = arith.constant 0 : i32
        %dma_wait3A_649 = arith.constant 0 : i32
        %dma_wait3A_650 = tpu.memref_slice %arg12[%dma_wait3A_648, %dma_wait3A_649] : memref<10000x128xf32, #tpu.memory_space<vmem_shared>> -> memref<10000x128xf32, #tpu.memory_space<vmem_shared>>
        tpu.wait_indirect_dma semaphore(%arg17 : memref<!tpu.dma_semaphore, #tpu.memory_space<semaphore_mem>>) src(%dma_wait3A_644 : memref<50x128xf32, #tpu.memory_space<vmem>>) dst(%dma_wait3A_650 : memref<10000x128xf32, #tpu.memory_space<vmem_shared>>)
        %add3A_651 = arith.constant 1 : i32
        %add3A_652 = arith.addi %add3A_501, %add3A_651 : i32
        %add3A_653 = arith.constant 3 : i32
        %add3A_654 = arith.addi %add3A_652, %add3A_653 : i32
        %dma_start3A_655 = arith.constant 1 : i32
        %dma_start3A_656 = arith.constant 0 : i32
        %dma_start3A_657 = arith.constant 0 : i32
        %dma_start3A_658 = tpu.memref_slice %arg9[%dma_start3A_655, %dma_start3A_656, %dma_start3A_657] : memref<3x50x128xf32, #tpu.memory_space<vmem>> -> memref<1x50x128xf32, #tpu.memory_space<vmem>>
        %dma_start3A_659 = tpu.memref_squeeze %dma_start3A_658 : memref<1x50x128xf32, #tpu.memory_space<vmem>> -> memref<50x128xf32, #tpu.memory_space<vmem>>
        %dma_start3A_660 = arith.constant 0 : i32
        %dma_start3A_661 = tpu.memref_slice %arg7[%add3A_654, %dma_start3A_660] : memref<40x50xi32, #tpu.memory_space<vmem>> -> memref<1x50xi32, #tpu.memory_space<vmem>>
        %dma_start3A_662 = tpu.memref_squeeze %dma_start3A_661 : memref<1x50xi32, #tpu.memory_space<vmem>> -> memref<50xi32, #tpu.memory_space<vmem>>
        %dma_start3A_663 = arith.constant 0 : i32
        %dma_start3A_664 = arith.constant 0 : i32
        %dma_start3A_665 = tpu.memref_slice %arg2[%dma_start3A_663, %dma_start3A_664] : memref<10000x128xf32, #tpu.memory_space<hbm>> -> memref<10000x128xf32, #tpu.memory_space<hbm>>
        tpu.enqueue_indirect_dma source(%dma_start3A_665 : memref<10000x128xf32, #tpu.memory_space<hbm>>) target(%dma_start3A_659 : memref<50x128xf32, #tpu.memory_space<vmem>>) offsets(%dma_start3A_662 : memref<50xi32, #tpu.memory_space<vmem>>) semaphore(%arg14 : memref<!tpu.dma_semaphore, #tpu.memory_space<semaphore_mem>>)
        %add3A_666 = arith.constant 2 : i32
        %add3A_667 = arith.addi %add3A_501, %add3A_666 : i32
        %dma_wait3A_668 = arith.constant 2 : i32
        %dma_wait3A_669 = arith.constant 0 : i32
        %dma_wait3A_670 = arith.constant 0 : i32
        %dma_wait3A_671 = tpu.memref_slice %arg9[%dma_wait3A_668, %dma_wait3A_669, %dma_wait3A_670] : memref<3x50x128xf32, #tpu.memory_space<vmem>> -> memref<1x50x128xf32, #tpu.memory_space<vmem>>
        %dma_wait3A_672 = tpu.memref_squeeze %dma_wait3A_671 : memref<1x50x128xf32, #tpu.memory_space<vmem>> -> memref<50x128xf32, #tpu.memory_space<vmem>>
        %dma_wait3A_673 = arith.constant 0 : i32
        %dma_wait3A_674 = tpu.memref_slice %arg8[%add3A_667, %dma_wait3A_673] : memref<40x50xi32, #tpu.memory_space<vmem>> -> memref<1x50xi32, #tpu.memory_space<vmem>>
        %dma_wait3A_675 = tpu.memref_squeeze %dma_wait3A_674 : memref<1x50xi32, #tpu.memory_space<vmem>> -> memref<50xi32, #tpu.memory_space<vmem>>
        %dma_wait3A_676 = arith.constant 0 : i32
        %dma_wait3A_677 = arith.constant 0 : i32
        %dma_wait3A_678 = tpu.memref_slice %arg12[%dma_wait3A_676, %dma_wait3A_677] : memref<10000x128xf32, #tpu.memory_space<vmem_shared>> -> memref<10000x128xf32, #tpu.memory_space<vmem_shared>>
        tpu.wait_indirect_dma semaphore(%arg18 : memref<!tpu.dma_semaphore, #tpu.memory_space<semaphore_mem>>) src(%dma_wait3A_672 : memref<50x128xf32, #tpu.memory_space<vmem>>) dst(%dma_wait3A_678 : memref<10000x128xf32, #tpu.memory_space<vmem_shared>>)
        %add3A_679 = arith.constant 2 : i32
        %add3A_680 = arith.addi %add3A_501, %add3A_679 : i32
        %add3A_681 = arith.constant 3 : i32
        %add3A_682 = arith.addi %add3A_680, %add3A_681 : i32
        %dma_start3A_683 = arith.constant 2 : i32
        %dma_start3A_684 = arith.constant 0 : i32
        %dma_start3A_685 = arith.constant 0 : i32
        %dma_start3A_686 = tpu.memref_slice %arg9[%dma_start3A_683, %dma_start3A_684, %dma_start3A_685] : memref<3x50x128xf32, #tpu.memory_space<vmem>> -> memref<1x50x128xf32, #tpu.memory_space<vmem>>
        %dma_start3A_687 = tpu.memref_squeeze %dma_start3A_686 : memref<1x50x128xf32, #tpu.memory_space<vmem>> -> memref<50x128xf32, #tpu.memory_space<vmem>>
        %dma_start3A_688 = arith.constant 0 : i32
        %dma_start3A_689 = tpu.memref_slice %arg7[%add3A_682, %dma_start3A_688] : memref<40x50xi32, #tpu.memory_space<vmem>> -> memref<1x50xi32, #tpu.memory_space<vmem>>
        %dma_start3A_690 = tpu.memref_squeeze %dma_start3A_689 : memref<1x50xi32, #tpu.memory_space<vmem>> -> memref<50xi32, #tpu.memory_space<vmem>>
        %dma_start3A_691 = arith.constant 0 : i32
        %dma_start3A_692 = arith.constant 0 : i32
        %dma_start3A_693 = tpu.memref_slice %arg2[%dma_start3A_691, %dma_start3A_692] : memref<10000x128xf32, #tpu.memory_space<hbm>> -> memref<10000x128xf32, #tpu.memory_space<hbm>>
        tpu.enqueue_indirect_dma source(%dma_start3A_693 : memref<10000x128xf32, #tpu.memory_space<hbm>>) target(%dma_start3A_687 : memref<50x128xf32, #tpu.memory_space<vmem>>) offsets(%dma_start3A_690 : memref<50xi32, #tpu.memory_space<vmem>>) semaphore(%arg15 : memref<!tpu.dma_semaphore, #tpu.memory_space<semaphore_mem>>)
      }
      %scan3A_108 = arith.constant 12 : i32
      %dma_wait3A = arith.constant 36 : i32
      %dma_wait3A_109 = arith.constant 0 : i32
      %dma_wait3A_110 = arith.constant 0 : i32
      %dma_wait3A_111 = arith.constant 0 : i32
      %dma_wait3A_112 = tpu.memref_slice %arg9[%dma_wait3A_109, %dma_wait3A_110, %dma_wait3A_111] : memref<3x50x128xf32, #tpu.memory_space<vmem>> -> memref<1x50x128xf32, #tpu.memory_space<vmem>>
      %dma_wait3A_113 = tpu.memref_squeeze %dma_wait3A_112 : memref<1x50x128xf32, #tpu.memory_space<vmem>> -> memref<50x128xf32, #tpu.memory_space<vmem>>
      %dma_wait3A_114 = arith.constant 0 : i32
      %dma_wait3A_115 = tpu.memref_slice %arg7[%dma_wait3A, %dma_wait3A_114] : memref<40x50xi32, #tpu.memory_space<vmem>> -> memref<1x50xi32, #tpu.memory_space<vmem>>
      %dma_wait3A_116 = tpu.memref_squeeze %dma_wait3A_115 : memref<1x50xi32, #tpu.memory_space<vmem>> -> memref<50xi32, #tpu.memory_space<vmem>>
      %dma_wait3A_117 = arith.constant 0 : i32
      %dma_wait3A_118 = arith.constant 0 : i32
      %dma_wait3A_119 = tpu.memref_slice %arg2[%dma_wait3A_117, %dma_wait3A_118] : memref<10000x128xf32, #tpu.memory_space<hbm>> -> memref<10000x128xf32, #tpu.memory_space<hbm>>
      tpu.wait_indirect_dma semaphore(%arg13 : memref<!tpu.dma_semaphore, #tpu.memory_space<semaphore_mem>>) src(%dma_wait3A_119 : memref<10000x128xf32, #tpu.memory_space<hbm>>) dst(%dma_wait3A_113 : memref<50x128xf32, #tpu.memory_space<vmem>>)
      %dma_start3A_120 = arith.constant 0 : i32
      %dma_start3A_121 = arith.constant 36 : i32
      %dma_start3A_122 = arith.constant 0 : i32
      %dma_start3A_123 = arith.constant 0 : i32
      %dma_start3A_124 = tpu.memref_slice %arg9[%dma_start3A_120, %dma_start3A_122, %dma_start3A_123] : memref<3x50x128xf32, #tpu.memory_space<vmem>> -> memref<1x50x128xf32, #tpu.memory_space<vmem>>
      %dma_start3A_125 = tpu.memref_squeeze %dma_start3A_124 : memref<1x50x128xf32, #tpu.memory_space<vmem>> -> memref<50x128xf32, #tpu.memory_space<vmem>>
      %dma_start3A_126 = arith.constant 0 : i32
      %dma_start3A_127 = tpu.memref_slice %arg8[%dma_start3A_121, %dma_start3A_126] : memref<40x50xi32, #tpu.memory_space<vmem>> -> memref<1x50xi32, #tpu.memory_space<vmem>>
      %dma_start3A_128 = tpu.memref_squeeze %dma_start3A_127 : memref<1x50xi32, #tpu.memory_space<vmem>> -> memref<50xi32, #tpu.memory_space<vmem>>
      %dma_start3A_129 = arith.constant 0 : i32
      %dma_start3A_130 = arith.constant 0 : i32
      %dma_start3A_131 = tpu.memref_slice %arg12[%dma_start3A_129, %dma_start3A_130] : memref<10000x128xf32, #tpu.memory_space<vmem_shared>> -> memref<10000x128xf32, #tpu.memory_space<vmem_shared>>
      tpu.enqueue_indirect_dma source(%dma_start3A_125 : memref<50x128xf32, #tpu.memory_space<vmem>>) target(%dma_start3A_131 : memref<10000x128xf32, #tpu.memory_space<vmem_shared>>) offsets(%dma_start3A_128 : memref<50xi32, #tpu.memory_space<vmem>>) semaphore(%arg16 : memref<!tpu.dma_semaphore, #tpu.memory_space<semaphore_mem>>) {add = true}
      %scan3A_132 = arith.constant 0 : i32
      %scan3A_133 = arith.constant 3 : i32
      %scan3A_134 = arith.addi %scan3A_132, %scan3A_133 : i32
      %scan3A_135 = arith.constant 1 : i32
      scf.for %scan3A_299 = %scan3A_132 to %scan3A_134 step %scan3A_135  : i32 {
        %mul3A_300 = arith.constant 1 : i32
        %mul3A_301 = arith.muli %scan3A_299, %mul3A_300 : i32
        %add3A_302 = arith.constant 0 : i32
        %add3A_303 = arith.addi %add3A_302, %mul3A_301 : i32
        %mul3A_304 = arith.constant 16 : i32
        %mul3A_305 = arith.muli %add3A_303, %mul3A_304 : i32
        %get3A_306 = arith.constant 36 : i32
        %get3A_307 = arith.index_cast %get3A_306 : i32 to index
        %get3A_308 = arith.index_cast %mul3A_305 : i32 to index
        %get3A_309 = tpu.vector_load %arg8[%get3A_307, %get3A_308] {strides = array<i32>} : memref<40x50xi32, #tpu.memory_space<vmem>>, vector<16xi32>,
        tpu.vector_store_idx %arg10[%get3A_309], %broadcast_in_dim3A_7 {add = true} : memref<10000xf32, #tpu.memory_space<vmem>>[vector<16xi32>], vector<16xf32>,
      }
      %scan3A_136 = arith.constant 3 : i32
      %get3A = arith.constant 36 : i32
      %get3A_137 = arith.index_cast %get3A : i32 to index
      %get3A_138 = arith.constant 34 : index
      %get3A_139 = tpu.vector_load %arg8[%get3A_137, %get3A_138] {strides = array<i32>} : memref<40x50xi32, #tpu.memory_space<vmem>>, vector<16xi32>,
      tpu.vector_store_idx %arg10[%get3A_139], %broadcast_in_dim3A_7 masked %ge3A_34 {add = true} : memref<10000xf32, #tpu.memory_space<vmem>>[vector<16xi32>], vector<16xf32>, vector<16xi1>
      %dma_wait3A_140 = arith.constant 0 : i32
      %dma_wait3A_141 = arith.constant 36 : i32
      %dma_wait3A_142 = arith.constant 0 : i32
      %dma_wait3A_143 = arith.constant 0 : i32
      %dma_wait3A_144 = tpu.memref_slice %arg9[%dma_wait3A_140, %dma_wait3A_142, %dma_wait3A_143] : memref<3x50x128xf32, #tpu.memory_space<vmem>> -> memref<1x50x128xf32, #tpu.memory_space<vmem>>
      %dma_wait3A_145 = tpu.memref_squeeze %dma_wait3A_144 : memref<1x50x128xf32, #tpu.memory_space<vmem>> -> memref<50x128xf32, #tpu.memory_space<vmem>>
      %dma_wait3A_146 = arith.constant 0 : i32
      %dma_wait3A_147 = tpu.memref_slice %arg8[%dma_wait3A_141, %dma_wait3A_146] : memref<40x50xi32, #tpu.memory_space<vmem>> -> memref<1x50xi32, #tpu.memory_space<vmem>>
      %dma_wait3A_148 = tpu.memref_squeeze %dma_wait3A_147 : memref<1x50xi32, #tpu.memory_space<vmem>> -> memref<50xi32, #tpu.memory_space<vmem>>
      %dma_wait3A_149 = arith.constant 0 : i32
      %dma_wait3A_150 = arith.constant 0 : i32
      %dma_wait3A_151 = tpu.memref_slice %arg12[%dma_wait3A_149, %dma_wait3A_150] : memref<10000x128xf32, #tpu.memory_space<vmem_shared>> -> memref<10000x128xf32, #tpu.memory_space<vmem_shared>>
      tpu.wait_indirect_dma semaphore(%arg16 : memref<!tpu.dma_semaphore, #tpu.memory_space<semaphore_mem>>) src(%dma_wait3A_145 : memref<50x128xf32, #tpu.memory_space<vmem>>) dst(%dma_wait3A_151 : memref<10000x128xf32, #tpu.memory_space<vmem_shared>>)
      %dma_start3A_152 = arith.constant 39 : i32
      %dma_start3A_153 = arith.constant 0 : i32
      %dma_start3A_154 = arith.constant 0 : i32
      %dma_start3A_155 = arith.constant 0 : i32
      %dma_start3A_156 = tpu.memref_slice %arg9[%dma_start3A_153, %dma_start3A_154, %dma_start3A_155] : memref<3x50x128xf32, #tpu.memory_space<vmem>> -> memref<1x50x128xf32, #tpu.memory_space<vmem>>
      %dma_start3A_157 = tpu.memref_squeeze %dma_start3A_156 : memref<1x50x128xf32, #tpu.memory_space<vmem>> -> memref<50x128xf32, #tpu.memory_space<vmem>>
      %dma_start3A_158 = arith.constant 0 : i32
      %dma_start3A_159 = tpu.memref_slice %arg7[%dma_start3A_152, %dma_start3A_158] : memref<40x50xi32, #tpu.memory_space<vmem>> -> memref<1x50xi32, #tpu.memory_space<vmem>>
      %dma_start3A_160 = tpu.memref_squeeze %dma_start3A_159 : memref<1x50xi32, #tpu.memory_space<vmem>> -> memref<50xi32, #tpu.memory_space<vmem>>
      %dma_start3A_161 = arith.constant 0 : i32
      %dma_start3A_162 = arith.constant 0 : i32
      %dma_start3A_163 = tpu.memref_slice %arg2[%dma_start3A_161, %dma_start3A_162] : memref<10000x128xf32, #tpu.memory_space<hbm>> -> memref<10000x128xf32, #tpu.memory_space<hbm>>
      tpu.enqueue_indirect_dma source(%dma_start3A_163 : memref<10000x128xf32, #tpu.memory_space<hbm>>) target(%dma_start3A_157 : memref<50x128xf32, #tpu.memory_space<vmem>>) offsets(%dma_start3A_160 : memref<50xi32, #tpu.memory_space<vmem>>) semaphore(%arg13 : memref<!tpu.dma_semaphore, #tpu.memory_space<semaphore_mem>>)
      %dma_wait3A_164 = arith.constant 37 : i32
      %dma_wait3A_165 = arith.constant 1 : i32
      %dma_wait3A_166 = arith.constant 0 : i32
      %dma_wait3A_167 = arith.constant 0 : i32
      %dma_wait3A_168 = tpu.memref_slice %arg9[%dma_wait3A_165, %dma_wait3A_166, %dma_wait3A_167] : memref<3x50x128xf32, #tpu.memory_space<vmem>> -> memref<1x50x128xf32, #tpu.memory_space<vmem>>
      %dma_wait3A_169 = tpu.memref_squeeze %dma_wait3A_168 : memref<1x50x128xf32, #tpu.memory_space<vmem>> -> memref<50x128xf32, #tpu.memory_space<vmem>>
      %dma_wait3A_170 = arith.constant 0 : i32
      %dma_wait3A_171 = tpu.memref_slice %arg7[%dma_wait3A_164, %dma_wait3A_170] : memref<40x50xi32, #tpu.memory_space<vmem>> -> memref<1x50xi32, #tpu.memory_space<vmem>>
      %dma_wait3A_172 = tpu.memref_squeeze %dma_wait3A_171 : memref<1x50xi32, #tpu.memory_space<vmem>> -> memref<50xi32, #tpu.memory_space<vmem>>
      %dma_wait3A_173 = arith.constant 0 : i32
      %dma_wait3A_174 = arith.constant 0 : i32
      %dma_wait3A_175 = tpu.memref_slice %arg2[%dma_wait3A_173, %dma_wait3A_174] : memref<10000x128xf32, #tpu.memory_space<hbm>> -> memref<10000x128xf32, #tpu.memory_space<hbm>>
      tpu.wait_indirect_dma semaphore(%arg14 : memref<!tpu.dma_semaphore, #tpu.memory_space<semaphore_mem>>) src(%dma_wait3A_175 : memref<10000x128xf32, #tpu.memory_space<hbm>>) dst(%dma_wait3A_169 : memref<50x128xf32, #tpu.memory_space<vmem>>)
      %dma_start3A_176 = arith.constant 1 : i32
      %dma_start3A_177 = arith.constant 37 : i32
      %dma_start3A_178 = arith.constant 0 : i32
      %dma_start3A_179 = arith.constant 0 : i32
      %dma_start3A_180 = tpu.memref_slice %arg9[%dma_start3A_176, %dma_start3A_178, %dma_start3A_179] : memref<3x50x128xf32, #tpu.memory_space<vmem>> -> memref<1x50x128xf32, #tpu.memory_space<vmem>>
      %dma_start3A_181 = tpu.memref_squeeze %dma_start3A_180 : memref<1x50x128xf32, #tpu.memory_space<vmem>> -> memref<50x128xf32, #tpu.memory_space<vmem>>
      %dma_start3A_182 = arith.constant 0 : i32
      %dma_start3A_183 = tpu.memref_slice %arg8[%dma_start3A_177, %dma_start3A_182] : memref<40x50xi32, #tpu.memory_space<vmem>> -> memref<1x50xi32, #tpu.memory_space<vmem>>
      %dma_start3A_184 = tpu.memref_squeeze %dma_start3A_183 : memref<1x50xi32, #tpu.memory_space<vmem>> -> memref<50xi32, #tpu.memory_space<vmem>>
      %dma_start3A_185 = arith.constant 0 : i32
      %dma_start3A_186 = arith.constant 0 : i32
      %dma_start3A_187 = tpu.memref_slice %arg12[%dma_start3A_185, %dma_start3A_186] : memref<10000x128xf32, #tpu.memory_space<vmem_shared>> -> memref<10000x128xf32, #tpu.memory_space<vmem_shared>>
      tpu.enqueue_indirect_dma source(%dma_start3A_181 : memref<50x128xf32, #tpu.memory_space<vmem>>) target(%dma_start3A_187 : memref<10000x128xf32, #tpu.memory_space<vmem_shared>>) offsets(%dma_start3A_184 : memref<50xi32, #tpu.memory_space<vmem>>) semaphore(%arg17 : memref<!tpu.dma_semaphore, #tpu.memory_space<semaphore_mem>>) {add = true}
      %scan3A_188 = arith.constant 0 : i32
      %scan3A_189 = arith.constant 3 : i32
      %scan3A_190 = arith.addi %scan3A_188, %scan3A_189 : i32
      %scan3A_191 = arith.constant 1 : i32
      scf.for %scan3A_299 = %scan3A_188 to %scan3A_190 step %scan3A_191  : i32 {
        %mul3A_300 = arith.constant 1 : i32
        %mul3A_301 = arith.muli %scan3A_299, %mul3A_300 : i32
        %add3A_302 = arith.constant 0 : i32
        %add3A_303 = arith.addi %add3A_302, %mul3A_301 : i32
        %mul3A_304 = arith.constant 16 : i32
        %mul3A_305 = arith.muli %add3A_303, %mul3A_304 : i32
        %get3A_306 = arith.constant 37 : i32
        %get3A_307 = arith.index_cast %get3A_306 : i32 to index
        %get3A_308 = arith.index_cast %mul3A_305 : i32 to index
        %get3A_309 = tpu.vector_load %arg8[%get3A_307, %get3A_308] {strides = array<i32>} : memref<40x50xi32, #tpu.memory_space<vmem>>, vector<16xi32>,
        tpu.vector_store_idx %arg10[%get3A_309], %broadcast_in_dim3A_7 {add = true} : memref<10000xf32, #tpu.memory_space<vmem>>[vector<16xi32>], vector<16xf32>,
      }
      %scan3A_192 = arith.constant 3 : i32
      %get3A_193 = arith.constant 37 : i32
      %get3A_194 = arith.index_cast %get3A_193 : i32 to index
      %get3A_195 = arith.constant 34 : index
      %get3A_196 = tpu.vector_load %arg8[%get3A_194, %get3A_195] {strides = array<i32>} : memref<40x50xi32, #tpu.memory_space<vmem>>, vector<16xi32>,
      tpu.vector_store_idx %arg10[%get3A_196], %broadcast_in_dim3A_7 masked %ge3A_34 {add = true} : memref<10000xf32, #tpu.memory_space<vmem>>[vector<16xi32>], vector<16xf32>, vector<16xi1>
      %dma_wait3A_197 = arith.constant 38 : i32
      %dma_wait3A_198 = arith.constant 2 : i32
      %dma_wait3A_199 = arith.constant 0 : i32
      %dma_wait3A_200 = arith.constant 0 : i32
      %dma_wait3A_201 = tpu.memref_slice %arg9[%dma_wait3A_198, %dma_wait3A_199, %dma_wait3A_200] : memref<3x50x128xf32, #tpu.memory_space<vmem>> -> memref<1x50x128xf32, #tpu.memory_space<vmem>>
      %dma_wait3A_202 = tpu.memref_squeeze %dma_wait3A_201 : memref<1x50x128xf32, #tpu.memory_space<vmem>> -> memref<50x128xf32, #tpu.memory_space<vmem>>
      %dma_wait3A_203 = arith.constant 0 : i32
      %dma_wait3A_204 = tpu.memref_slice %arg7[%dma_wait3A_197, %dma_wait3A_203] : memref<40x50xi32, #tpu.memory_space<vmem>> -> memref<1x50xi32, #tpu.memory_space<vmem>>
      %dma_wait3A_205 = tpu.memref_squeeze %dma_wait3A_204 : memref<1x50xi32, #tpu.memory_space<vmem>> -> memref<50xi32, #tpu.memory_space<vmem>>
      %dma_wait3A_206 = arith.constant 0 : i32
      %dma_wait3A_207 = arith.constant 0 : i32
      %dma_wait3A_208 = tpu.memref_slice %arg2[%dma_wait3A_206, %dma_wait3A_207] : memref<10000x128xf32, #tpu.memory_space<hbm>> -> memref<10000x128xf32, #tpu.memory_space<hbm>>
      tpu.wait_indirect_dma semaphore(%arg15 : memref<!tpu.dma_semaphore, #tpu.memory_space<semaphore_mem>>) src(%dma_wait3A_208 : memref<10000x128xf32, #tpu.memory_space<hbm>>) dst(%dma_wait3A_202 : memref<50x128xf32, #tpu.memory_space<vmem>>)
      %dma_start3A_209 = arith.constant 2 : i32
      %dma_start3A_210 = arith.constant 38 : i32
      %dma_start3A_211 = arith.constant 0 : i32
      %dma_start3A_212 = arith.constant 0 : i32
      %dma_start3A_213 = tpu.memref_slice %arg9[%dma_start3A_209, %dma_start3A_211, %dma_start3A_212] : memref<3x50x128xf32, #tpu.memory_space<vmem>> -> memref<1x50x128xf32, #tpu.memory_space<vmem>>
      %dma_start3A_214 = tpu.memref_squeeze %dma_start3A_213 : memref<1x50x128xf32, #tpu.memory_space<vmem>> -> memref<50x128xf32, #tpu.memory_space<vmem>>
      %dma_start3A_215 = arith.constant 0 : i32
      %dma_start3A_216 = tpu.memref_slice %arg8[%dma_start3A_210, %dma_start3A_215] : memref<40x50xi32, #tpu.memory_space<vmem>> -> memref<1x50xi32, #tpu.memory_space<vmem>>
      %dma_start3A_217 = tpu.memref_squeeze %dma_start3A_216 : memref<1x50xi32, #tpu.memory_space<vmem>> -> memref<50xi32, #tpu.memory_space<vmem>>
      %dma_start3A_218 = arith.constant 0 : i32
      %dma_start3A_219 = arith.constant 0 : i32
      %dma_start3A_220 = tpu.memref_slice %arg12[%dma_start3A_218, %dma_start3A_219] : memref<10000x128xf32, #tpu.memory_space<vmem_shared>> -> memref<10000x128xf32, #tpu.memory_space<vmem_shared>>
      tpu.enqueue_indirect_dma source(%dma_start3A_214 : memref<50x128xf32, #tpu.memory_space<vmem>>) target(%dma_start3A_220 : memref<10000x128xf32, #tpu.memory_space<vmem_shared>>) offsets(%dma_start3A_217 : memref<50xi32, #tpu.memory_space<vmem>>) semaphore(%arg18 : memref<!tpu.dma_semaphore, #tpu.memory_space<semaphore_mem>>) {add = true}
      %scan3A_221 = arith.constant 0 : i32
      %scan3A_222 = arith.constant 3 : i32
      %scan3A_223 = arith.addi %scan3A_221, %scan3A_222 : i32
      %scan3A_224 = arith.constant 1 : i32
      scf.for %scan3A_299 = %scan3A_221 to %scan3A_223 step %scan3A_224  : i32 {
        %mul3A_300 = arith.constant 1 : i32
        %mul3A_301 = arith.muli %scan3A_299, %mul3A_300 : i32
        %add3A_302 = arith.constant 0 : i32
        %add3A_303 = arith.addi %add3A_302, %mul3A_301 : i32
        %mul3A_304 = arith.constant 16 : i32
        %mul3A_305 = arith.muli %add3A_303, %mul3A_304 : i32
        %get3A_306 = arith.constant 38 : i32
        %get3A_307 = arith.index_cast %get3A_306 : i32 to index
        %get3A_308 = arith.index_cast %mul3A_305 : i32 to index
        %get3A_309 = tpu.vector_load %arg8[%get3A_307, %get3A_308] {strides = array<i32>} : memref<40x50xi32, #tpu.memory_space<vmem>>, vector<16xi32>,
        tpu.vector_store_idx %arg10[%get3A_309], %broadcast_in_dim3A_7 {add = true} : memref<10000xf32, #tpu.memory_space<vmem>>[vector<16xi32>], vector<16xf32>,
      }
      %scan3A_225 = arith.constant 3 : i32
      %get3A_226 = arith.constant 38 : i32
      %get3A_227 = arith.index_cast %get3A_226 : i32 to index
      %get3A_228 = arith.constant 34 : index
      %get3A_229 = tpu.vector_load %arg8[%get3A_227, %get3A_228] {strides = array<i32>} : memref<40x50xi32, #tpu.memory_space<vmem>>, vector<16xi32>,
      tpu.vector_store_idx %arg10[%get3A_229], %broadcast_in_dim3A_7 masked %ge3A_34 {add = true} : memref<10000xf32, #tpu.memory_space<vmem>>[vector<16xi32>], vector<16xf32>, vector<16xi1>
      %dma_wait3A_230 = arith.constant 39 : i32
      %dma_wait3A_231 = arith.constant 0 : i32
      %dma_wait3A_232 = arith.constant 0 : i32
      %dma_wait3A_233 = arith.constant 0 : i32
      %dma_wait3A_234 = tpu.memref_slice %arg9[%dma_wait3A_231, %dma_wait3A_232, %dma_wait3A_233] : memref<3x50x128xf32, #tpu.memory_space<vmem>> -> memref<1x50x128xf32, #tpu.memory_space<vmem>>
      %dma_wait3A_235 = tpu.memref_squeeze %dma_wait3A_234 : memref<1x50x128xf32, #tpu.memory_space<vmem>> -> memref<50x128xf32, #tpu.memory_space<vmem>>
      %dma_wait3A_236 = arith.constant 0 : i32
      %dma_wait3A_237 = tpu.memref_slice %arg7[%dma_wait3A_230, %dma_wait3A_236] : memref<40x50xi32, #tpu.memory_space<vmem>> -> memref<1x50xi32, #tpu.memory_space<vmem>>
      %dma_wait3A_238 = tpu.memref_squeeze %dma_wait3A_237 : memref<1x50xi32, #tpu.memory_space<vmem>> -> memref<50xi32, #tpu.memory_space<vmem>>
      %dma_wait3A_239 = arith.constant 0 : i32
      %dma_wait3A_240 = arith.constant 0 : i32
      %dma_wait3A_241 = tpu.memref_slice %arg2[%dma_wait3A_239, %dma_wait3A_240] : memref<10000x128xf32, #tpu.memory_space<hbm>> -> memref<10000x128xf32, #tpu.memory_space<hbm>>
      tpu.wait_indirect_dma semaphore(%arg13 : memref<!tpu.dma_semaphore, #tpu.memory_space<semaphore_mem>>) src(%dma_wait3A_241 : memref<10000x128xf32, #tpu.memory_space<hbm>>) dst(%dma_wait3A_235 : memref<50x128xf32, #tpu.memory_space<vmem>>)
      %dma_start3A_242 = arith.constant 0 : i32
      %dma_start3A_243 = arith.constant 39 : i32
      %dma_start3A_244 = arith.constant 0 : i32
      %dma_start3A_245 = arith.constant 0 : i32
      %dma_start3A_246 = tpu.memref_slice %arg9[%dma_start3A_242, %dma_start3A_244, %dma_start3A_245] : memref<3x50x128xf32, #tpu.memory_space<vmem>> -> memref<1x50x128xf32, #tpu.memory_space<vmem>>
      %dma_start3A_247 = tpu.memref_squeeze %dma_start3A_246 : memref<1x50x128xf32, #tpu.memory_space<vmem>> -> memref<50x128xf32, #tpu.memory_space<vmem>>
      %dma_start3A_248 = arith.constant 0 : i32
      %dma_start3A_249 = tpu.memref_slice %arg8[%dma_start3A_243, %dma_start3A_248] : memref<40x50xi32, #tpu.memory_space<vmem>> -> memref<1x50xi32, #tpu.memory_space<vmem>>
      %dma_start3A_250 = tpu.memref_squeeze %dma_start3A_249 : memref<1x50xi32, #tpu.memory_space<vmem>> -> memref<50xi32, #tpu.memory_space<vmem>>
      %dma_start3A_251 = arith.constant 0 : i32
      %dma_start3A_252 = arith.constant 0 : i32
      %dma_start3A_253 = tpu.memref_slice %arg12[%dma_start3A_251, %dma_start3A_252] : memref<10000x128xf32, #tpu.memory_space<vmem_shared>> -> memref<10000x128xf32, #tpu.memory_space<vmem_shared>>
      tpu.enqueue_indirect_dma source(%dma_start3A_247 : memref<50x128xf32, #tpu.memory_space<vmem>>) target(%dma_start3A_253 : memref<10000x128xf32, #tpu.memory_space<vmem_shared>>) offsets(%dma_start3A_250 : memref<50xi32, #tpu.memory_space<vmem>>) semaphore(%arg16 : memref<!tpu.dma_semaphore, #tpu.memory_space<semaphore_mem>>) {add = true}
      %scan3A_254 = arith.constant 0 : i32
      %scan3A_255 = arith.constant 3 : i32
      %scan3A_256 = arith.addi %scan3A_254, %scan3A_255 : i32
      %scan3A_257 = arith.constant 1 : i32
      scf.for %scan3A_299 = %scan3A_254 to %scan3A_256 step %scan3A_257  : i32 {
        %mul3A_300 = arith.constant 1 : i32
        %mul3A_301 = arith.muli %scan3A_299, %mul3A_300 : i32
        %add3A_302 = arith.constant 0 : i32
        %add3A_303 = arith.addi %add3A_302, %mul3A_301 : i32
        %mul3A_304 = arith.constant 16 : i32
        %mul3A_305 = arith.muli %add3A_303, %mul3A_304 : i32
        %get3A_306 = arith.constant 39 : i32
        %get3A_307 = arith.index_cast %get3A_306 : i32 to index
        %get3A_308 = arith.index_cast %mul3A_305 : i32 to index
        %get3A_309 = tpu.vector_load %arg8[%get3A_307, %get3A_308] {strides = array<i32>} : memref<40x50xi32, #tpu.memory_space<vmem>>, vector<16xi32>,
        tpu.vector_store_idx %arg10[%get3A_309], %broadcast_in_dim3A_7 {add = true} : memref<10000xf32, #tpu.memory_space<vmem>>[vector<16xi32>], vector<16xf32>,
      }
      %scan3A_258 = arith.constant 3 : i32
      %get3A_259 = arith.constant 39 : i32
      %get3A_260 = arith.index_cast %get3A_259 : i32 to index
      %get3A_261 = arith.constant 34 : index
      %get3A_262 = tpu.vector_load %arg8[%get3A_260, %get3A_261] {strides = array<i32>} : memref<40x50xi32, #tpu.memory_space<vmem>>, vector<16xi32>,
      tpu.vector_store_idx %arg10[%get3A_262], %broadcast_in_dim3A_7 masked %ge3A_34 {add = true} : memref<10000xf32, #tpu.memory_space<vmem>>[vector<16xi32>], vector<16xf32>, vector<16xi1>
      %dma_wait3A_263 = arith.constant 1 : i32
      %dma_wait3A_264 = arith.constant 37 : i32
      %dma_wait3A_265 = arith.constant 0 : i32
      %dma_wait3A_266 = arith.constant 0 : i32
      %dma_wait3A_267 = tpu.memref_slice %arg9[%dma_wait3A_263, %dma_wait3A_265, %dma_wait3A_266] : memref<3x50x128xf32, #tpu.memory_space<vmem>> -> memref<1x50x128xf32, #tpu.memory_space<vmem>>
      %dma_wait3A_268 = tpu.memref_squeeze %dma_wait3A_267 : memref<1x50x128xf32, #tpu.memory_space<vmem>> -> memref<50x128xf32, #tpu.memory_space<vmem>>
      %dma_wait3A_269 = arith.constant 0 : i32
      %dma_wait3A_270 = tpu.memref_slice %arg8[%dma_wait3A_264, %dma_wait3A_269] : memref<40x50xi32, #tpu.memory_space<vmem>> -> memref<1x50xi32, #tpu.memory_space<vmem>>
      %dma_wait3A_271 = tpu.memref_squeeze %dma_wait3A_270 : memref<1x50xi32, #tpu.memory_space<vmem>> -> memref<50xi32, #tpu.memory_space<vmem>>
      %dma_wait3A_272 = arith.constant 0 : i32
      %dma_wait3A_273 = arith.constant 0 : i32
      %dma_wait3A_274 = tpu.memref_slice %arg12[%dma_wait3A_272, %dma_wait3A_273] : memref<10000x128xf32, #tpu.memory_space<vmem_shared>> -> memref<10000x128xf32, #tpu.memory_space<vmem_shared>>
      tpu.wait_indirect_dma semaphore(%arg17 : memref<!tpu.dma_semaphore, #tpu.memory_space<semaphore_mem>>) src(%dma_wait3A_268 : memref<50x128xf32, #tpu.memory_space<vmem>>) dst(%dma_wait3A_274 : memref<10000x128xf32, #tpu.memory_space<vmem_shared>>)
      %dma_wait3A_275 = arith.constant 2 : i32
      %dma_wait3A_276 = arith.constant 38 : i32
      %dma_wait3A_277 = arith.constant 0 : i32
      %dma_wait3A_278 = arith.constant 0 : i32
      %dma_wait3A_279 = tpu.memref_slice %arg9[%dma_wait3A_275, %dma_wait3A_277, %dma_wait3A_278] : memref<3x50x128xf32, #tpu.memory_space<vmem>> -> memref<1x50x128xf32, #tpu.memory_space<vmem>>
      %dma_wait3A_280 = tpu.memref_squeeze %dma_wait3A_279 : memref<1x50x128xf32, #tpu.memory_space<vmem>> -> memref<50x128xf32, #tpu.memory_space<vmem>>
      %dma_wait3A_281 = arith.constant 0 : i32
      %dma_wait3A_282 = tpu.memref_slice %arg8[%dma_wait3A_276, %dma_wait3A_281] : memref<40x50xi32, #tpu.memory_space<vmem>> -> memref<1x50xi32, #tpu.memory_space<vmem>>
      %dma_wait3A_283 = tpu.memref_squeeze %dma_wait3A_282 : memref<1x50xi32, #tpu.memory_space<vmem>> -> memref<50xi32, #tpu.memory_space<vmem>>
      %dma_wait3A_284 = arith.constant 0 : i32
      %dma_wait3A_285 = arith.constant 0 : i32
      %dma_wait3A_286 = tpu.memref_slice %arg12[%dma_wait3A_284, %dma_wait3A_285] : memref<10000x128xf32, #tpu.memory_space<vmem_shared>> -> memref<10000x128xf32, #tpu.memory_space<vmem_shared>>
      tpu.wait_indirect_dma semaphore(%arg18 : memref<!tpu.dma_semaphore, #tpu.memory_space<semaphore_mem>>) src(%dma_wait3A_280 : memref<50x128xf32, #tpu.memory_space<vmem>>) dst(%dma_wait3A_286 : memref<10000x128xf32, #tpu.memory_space<vmem_shared>>)
      %dma_wait3A_287 = arith.constant 0 : i32
      %dma_wait3A_288 = arith.constant 39 : i32
      %dma_wait3A_289 = arith.constant 0 : i32
      %dma_wait3A_290 = arith.constant 0 : i32
      %dma_wait3A_291 = tpu.memref_slice %arg9[%dma_wait3A_287, %dma_wait3A_289, %dma_wait3A_290] : memref<3x50x128xf32, #tpu.memory_space<vmem>> -> memref<1x50x128xf32, #tpu.memory_space<vmem>>
      %dma_wait3A_292 = tpu.memref_squeeze %dma_wait3A_291 : memref<1x50x128xf32, #tpu.memory_space<vmem>> -> memref<50x128xf32, #tpu.memory_space<vmem>>
      %dma_wait3A_293 = arith.constant 0 : i32
      %dma_wait3A_294 = tpu.memref_slice %arg8[%dma_wait3A_288, %dma_wait3A_293] : memref<40x50xi32, #tpu.memory_space<vmem>> -> memref<1x50xi32, #tpu.memory_space<vmem>>
      %dma_wait3A_295 = tpu.memref_squeeze %dma_wait3A_294 : memref<1x50xi32, #tpu.memory_space<vmem>> -> memref<50xi32, #tpu.memory_space<vmem>>
      %dma_wait3A_296 = arith.constant 0 : i32
      %dma_wait3A_297 = arith.constant 0 : i32
      %dma_wait3A_298 = tpu.memref_slice %arg12[%dma_wait3A_296, %dma_wait3A_297] : memref<10000x128xf32, #tpu.memory_space<vmem_shared>> -> memref<10000x128xf32, #tpu.memory_space<vmem_shared>>
      tpu.wait_indirect_dma semaphore(%arg16 : memref<!tpu.dma_semaphore, #tpu.memory_space<semaphore_mem>>) src(%dma_wait3A_292 : memref<50x128xf32, #tpu.memory_space<vmem>>) dst(%dma_wait3A_298 : memref<10000x128xf32, #tpu.memory_space<vmem_shared>>)
    }
    %scan3A_39 = arith.constant 5 : i32
    %barrier3A_40 = arith.constant 0 : index
    tpu.barrier barrier_id(%barrier3A_40)
    %sub3A_41 = arith.constant 0 : i32
    %sub3A_42 = arith.subi %select_n3A, %sub3A_41 : i32
    %sub3A_43 = arith.constant 1 : i32
    %sub3A_44 = arith.constant 1 : i32
    %sub3A_45 = arith.subi %sub3A_43, %sub3A_44 : i32
    %add3A_46 = arith.addi %sub3A_42, %sub3A_45 : i32
    %div3A_47 = arith.constant 1 : i32
    %div3A_48 = arith.divsi %add3A_46, %div3A_47 : i32
    %while3A_49 = arith.constant 1 : i32
    %while3A_50 = arith.constant 0 : i32
    %while3A_51 = arith.constant 0 : i32
    %while3A_52 = arith.subi %div3A_48, %while3A_51 : i32
    %while3A_53 = arith.addi %while3A_51, %while3A_52 : i32
    %while3A_54 = arith.constant 1 : i32
    %while3A_55 = arith.divsi %while3A_52, %while3A_54 : i32
    %while3A_56 = arith.muli %while3A_55, %while3A_54 : i32
    %while3A_57 = arith.addi %while3A_51, %while3A_56 : i32
    %while3A_58 = arith.constant 1 : i32
    scf.for %while3A_60 = %while3A_51 to %while3A_57 step %while3A_58  : i32 {
      %mul3A_61 = arith.muli %while3A_60, %while3A_49 : i32
      %add3A_62 = arith.addi %while3A_50, %mul3A_61 : i32
      %mul3A_63 = arith.constant 16 : i32
      %mul3A_64 = arith.muli %add3A_62, %mul3A_63 : i32
      %add3A_65 = arith.addi %mul3A_2, %mul3A_64 : i32
      "tpu.region"() ({
        %run_scoped3A = tpu.sem_alloc : memref<!tpu.dma_semaphore, #tpu.memory_space<semaphore_mem>>
        %dma_start3A = arith.constant 0 : i32
        %dma_start3A_66 = tpu.memref_slice %arg12[%add3A_65, %dma_start3A] : memref<10000x128xf32, #tpu.memory_space<vmem_shared>> -> memref<16x128xf32, #tpu.memory_space<vmem_shared>>
        %dma_start3A_67 = arith.constant 0 : i32
        %dma_start3A_68 = tpu.memref_slice %arg12[%add3A_65, %dma_start3A_67] : memref<10000x128xf32, #tpu.memory_space<vmem_shared>> -> memref<16x128xf32, #tpu.memory_space<vmem_shared>>
        tpu.enqueue_dma source(%dma_start3A_68 : memref<16x128xf32, #tpu.memory_space<vmem_shared>>) target(%arg11 : memref<16x128xf32, #tpu.memory_space<vmem>>) target_semaphore(%run_scoped3A : memref<!tpu.dma_semaphore, #tpu.memory_space<semaphore_mem>>)
        %dma_wait3A = arith.constant 0 : i32
        %dma_wait3A_69 = tpu.memref_slice %arg12[%add3A_65, %dma_wait3A] : memref<10000x128xf32, #tpu.memory_space<vmem_shared>> -> memref<16x128xf32, #tpu.memory_space<vmem_shared>>
        %dma_wait3A_70 = arith.constant 0 : i32
        %dma_wait3A_71 = tpu.memref_slice %arg12[%add3A_65, %dma_wait3A_70] : memref<10000x128xf32, #tpu.memory_space<vmem_shared>> -> memref<16x128xf32, #tpu.memory_space<vmem_shared>>
        tpu.wait_dma2 semaphore(%run_scoped3A : memref<!tpu.dma_semaphore, #tpu.memory_space<semaphore_mem>>) src(%dma_wait3A_71 : memref<16x128xf32, #tpu.memory_space<vmem_shared>>) dst(%arg11 : memref<16x128xf32, #tpu.memory_space<vmem>>)
        tpu.yield
      }) : () -> ()
      "tpu.region"() ({
        %run_scoped3A = tpu.sem_alloc : memref<!tpu.dma_semaphore, #tpu.memory_space<semaphore_mem>>
        %dma_start3A = arith.constant 0 : i32
        %dma_start3A_66 = tpu.memref_slice %arg5[%arg0, %add3A_65, %dma_start3A] : memref<2x10000x128xf32, #tpu.memory_space<hbm>> -> memref<1x16x128xf32, #tpu.memory_space<hbm>>
        %dma_start3A_67 = tpu.memref_squeeze %dma_start3A_66 : memref<1x16x128xf32, #tpu.memory_space<hbm>> -> memref<16x128xf32, #tpu.memory_space<hbm>>
        %dma_start3A_68 = arith.constant 0 : i32
        %dma_start3A_69 = tpu.memref_slice %arg5[%arg0, %add3A_65, %dma_start3A_68] : memref<2x10000x128xf32, #tpu.memory_space<hbm>> -> memref<1x16x128xf32, #tpu.memory_space<hbm>>
        %dma_start3A_70 = tpu.memref_squeeze %dma_start3A_69 : memref<1x16x128xf32, #tpu.memory_space<hbm>> -> memref<16x128xf32, #tpu.memory_space<hbm>>
        tpu.enqueue_dma source(%arg11 : memref<16x128xf32, #tpu.memory_space<vmem>>) target(%dma_start3A_70 : memref<16x128xf32, #tpu.memory_space<hbm>>) target_semaphore(%run_scoped3A : memref<!tpu.dma_semaphore, #tpu.memory_space<semaphore_mem>>)
        %dma_wait3A = arith.constant 0 : i32
        %dma_wait3A_71 = tpu.memref_slice %arg5[%arg0, %add3A_65, %dma_wait3A] : memref<2x10000x128xf32, #tpu.memory_space<hbm>> -> memref<1x16x128xf32, #tpu.memory_space<hbm>>
        %dma_wait3A_72 = tpu.memref_squeeze %dma_wait3A_71 : memref<1x16x128xf32, #tpu.memory_space<hbm>> -> memref<16x128xf32, #tpu.memory_space<hbm>>
        %dma_wait3A_73 = arith.constant 0 : i32
        %dma_wait3A_74 = tpu.memref_slice %arg5[%arg0, %add3A_65, %dma_wait3A_73] : memref<2x10000x128xf32, #tpu.memory_space<hbm>> -> memref<1x16x128xf32, #tpu.memory_space<hbm>>
        %dma_wait3A_75 = tpu.memref_squeeze %dma_wait3A_74 : memref<1x16x128xf32, #tpu.memory_space<hbm>> -> memref<16x128xf32, #tpu.memory_space<hbm>>
        tpu.wait_dma2 semaphore(%run_scoped3A : memref<!tpu.dma_semaphore, #tpu.memory_space<semaphore_mem>>) src(%arg11 : memref<16x128xf32, #tpu.memory_space<vmem>>) dst(%dma_wait3A_75 : memref<16x128xf32, #tpu.memory_space<hbm>>)
        tpu.yield
      }) : () -> ()
    }
    %while3A_59 = arith.constant 1 : i32
    scf.for %while3A_60 = %while3A_57 to %while3A_53 step %while3A_59  : i32 {
      %mul3A_61 = arith.muli %while3A_60, %while3A_49 : i32
      %add3A_62 = arith.addi %while3A_50, %mul3A_61 : i32
      %mul3A_63 = arith.constant 16 : i32
      %mul3A_64 = arith.muli %add3A_62, %mul3A_63 : i32
      %add3A_65 = arith.addi %mul3A_2, %mul3A_64 : i32
      "tpu.region"() ({
        %run_scoped3A = tpu.sem_alloc : memref<!tpu.dma_semaphore, #tpu.memory_space<semaphore_mem>>
        %dma_start3A = arith.constant 0 : i32
        %dma_start3A_66 = tpu.memref_slice %arg12[%add3A_65, %dma_start3A] : memref<10000x128xf32, #tpu.memory_space<vmem_shared>> -> memref<16x128xf32, #tpu.memory_space<vmem_shared>>
        %dma_start3A_67 = arith.constant 0 : i32
        %dma_start3A_68 = tpu.memref_slice %arg12[%add3A_65, %dma_start3A_67] : memref<10000x128xf32, #tpu.memory_space<vmem_shared>> -> memref<16x128xf32, #tpu.memory_space<vmem_shared>>
        tpu.enqueue_dma source(%dma_start3A_68 : memref<16x128xf32, #tpu.memory_space<vmem_shared>>) target(%arg11 : memref<16x128xf32, #tpu.memory_space<vmem>>) target_semaphore(%run_scoped3A : memref<!tpu.dma_semaphore, #tpu.memory_space<semaphore_mem>>)
        %dma_wait3A = arith.constant 0 : i32
        %dma_wait3A_69 = tpu.memref_slice %arg12[%add3A_65, %dma_wait3A] : memref<10000x128xf32, #tpu.memory_space<vmem_shared>> -> memref<16x128xf32, #tpu.memory_space<vmem_shared>>
        %dma_wait3A_70 = arith.constant 0 : i32
        %dma_wait3A_71 = tpu.memref_slice %arg12[%add3A_65, %dma_wait3A_70] : memref<10000x128xf32, #tpu.memory_space<vmem_shared>> -> memref<16x128xf32, #tpu.memory_space<vmem_shared>>
        tpu.wait_dma2 semaphore(%run_scoped3A : memref<!tpu.dma_semaphore, #tpu.memory_space<semaphore_mem>>) src(%dma_wait3A_71 : memref<16x128xf32, #tpu.memory_space<vmem_shared>>) dst(%arg11 : memref<16x128xf32, #tpu.memory_space<vmem>>)
        tpu.yield
      }) : () -> ()
      "tpu.region"() ({
        %run_scoped3A = tpu.sem_alloc : memref<!tpu.dma_semaphore, #tpu.memory_space<semaphore_mem>>
        %dma_start3A = arith.constant 0 : i32
        %dma_start3A_66 = tpu.memref_slice %arg5[%arg0, %add3A_65, %dma_start3A] : memref<2x10000x128xf32, #tpu.memory_space<hbm>> -> memref<1x16x128xf32, #tpu.memory_space<hbm>>
        %dma_start3A_67 = tpu.memref_squeeze %dma_start3A_66 : memref<1x16x128xf32, #tpu.memory_space<hbm>> -> memref<16x128xf32, #tpu.memory_space<hbm>>
        %dma_start3A_68 = arith.constant 0 : i32
        %dma_start3A_69 = tpu.memref_slice %arg5[%arg0, %add3A_65, %dma_start3A_68] : memref<2x10000x128xf32, #tpu.memory_space<hbm>> -> memref<1x16x128xf32, #tpu.memory_space<hbm>>
        %dma_start3A_70 = tpu.memref_squeeze %dma_start3A_69 : memref<1x16x128xf32, #tpu.memory_space<hbm>> -> memref<16x128xf32, #tpu.memory_space<hbm>>
        tpu.enqueue_dma source(%arg11 : memref<16x128xf32, #tpu.memory_space<vmem>>) target(%dma_start3A_70 : memref<16x128xf32, #tpu.memory_space<hbm>>) target_semaphore(%run_scoped3A : memref<!tpu.dma_semaphore, #tpu.memory_space<semaphore_mem>>)
        %dma_wait3A = arith.constant 0 : i32
        %dma_wait3A_71 = tpu.memref_slice %arg5[%arg0, %add3A_65, %dma_wait3A] : memref<2x10000x128xf32, #tpu.memory_space<hbm>> -> memref<1x16x128xf32, #tpu.memory_space<hbm>>
        %dma_wait3A_72 = tpu.memref_squeeze %dma_wait3A_71 : memref<1x16x128xf32, #tpu.memory_space<hbm>> -> memref<16x128xf32, #tpu.memory_space<hbm>>
        %dma_wait3A_73 = arith.constant 0 : i32
        %dma_wait3A_74 = tpu.memref_slice %arg5[%arg0, %add3A_65, %dma_wait3A_73] : memref<2x10000x128xf32, #tpu.memory_space<hbm>> -> memref<1x16x128xf32, #tpu.memory_space<hbm>>
        %dma_wait3A_75 = tpu.memref_squeeze %dma_wait3A_74 : memref<1x16x128xf32, #tpu.memory_space<hbm>> -> memref<16x128xf32, #tpu.memory_space<hbm>>
        tpu.wait_dma2 semaphore(%run_scoped3A : memref<!tpu.dma_semaphore, #tpu.memory_space<semaphore_mem>>) src(%arg11 : memref<16x128xf32, #tpu.memory_space<vmem>>) dst(%dma_wait3A_75 : memref<16x128xf32, #tpu.memory_space<hbm>>)
        tpu.yield
      }) : () -> ()
    }
    "tpu.region"() ({
      %run_scoped3A = tpu.sem_alloc : memref<!tpu.dma_semaphore, #tpu.memory_space<semaphore_mem>>
      %dma_start3A = arith.constant 0 : i32
      %dma_start3A_60 = tpu.memref_slice %arg6[%arg0, %arg1, %dma_start3A] : memref<2x16x10000xf32, #tpu.memory_space<hbm>> -> memref<1x1x10000xf32, #tpu.memory_space<hbm>>
      %dma_start3A_61 = tpu.memref_squeeze %dma_start3A_60 : memref<1x1x10000xf32, #tpu.memory_space<hbm>> -> memref<10000xf32, #tpu.memory_space<hbm>>
      %dma_start3A_62 = arith.constant 0 : i32
      %dma_start3A_63 = tpu.memref_slice %arg6[%arg0, %arg1, %dma_start3A_62] : memref<2x16x10000xf32, #tpu.memory_space<hbm>> -> memref<1x1x10000xf32, #tpu.memory_space<hbm>>
      %dma_start3A_64 = tpu.memref_squeeze %dma_start3A_63 : memref<1x1x10000xf32, #tpu.memory_space<hbm>> -> memref<10000xf32, #tpu.memory_space<hbm>>
      tpu.enqueue_dma source(%arg10 : memref<10000xf32, #tpu.memory_space<vmem>>) target(%dma_start3A_64 : memref<10000xf32, #tpu.memory_space<hbm>>) target_semaphore(%run_scoped3A : memref<!tpu.dma_semaphore, #tpu.memory_space<semaphore_mem>>)
      %dma_wait3A = arith.constant 0 : i32
      %dma_wait3A_65 = tpu.memref_slice %arg6[%arg0, %arg1, %dma_wait3A] : memref<2x16x10000xf32, #tpu.memory_space<hbm>> -> memref<1x1x10000xf32, #tpu.memory_space<hbm>>
      %dma_wait3A_66 = tpu.memref_squeeze %dma_wait3A_65 : memref<1x1x10000xf32, #tpu.memory_space<hbm>> -> memref<10000xf32, #tpu.memory_space<hbm>>
      %dma_wait3A_67 = arith.constant 0 : i32
      %dma_wait3A_68 = tpu.memref_slice %arg6[%arg0, %arg1, %dma_wait3A_67] : memref<2x16x10000xf32, #tpu.memory_space<hbm>> -> memref<1x1x10000xf32, #tpu.memory_space<hbm>>
      %dma_wait3A_69 = tpu.memref_squeeze %dma_wait3A_68 : memref<1x1x10000xf32, #tpu.memory_space<hbm>> -> memref<10000xf32, #tpu.memory_space<hbm>>
      tpu.wait_dma2 semaphore(%run_scoped3A : memref<!tpu.dma_semaphore, #tpu.memory_space<semaphore_mem>>) src(%arg10 : memref<10000xf32, #tpu.memory_space<vmem>>) dst(%dma_wait3A_69 : memref<10000xf32, #tpu.memory_space<hbm>>)
      tpu.yield
    }) : () -> ()
    return
  }
}

module attributes {stable_mosaic.version = 14 : i64} {
  func.func @body(%arg0: i32, %arg1: memref<1000x128xf32, #tpu.memory_space<vmem>>, %arg2: memref<2x1000x128xf32, #tpu.memory_space<vmem>>, %arg3: memref<1000x32xf32, #tpu.memory_space<vmem>>, %arg4: memref<256x128xf32, #tpu.memory_space<vmem>>, %arg5: memref<1x128xf32, #tpu.memory_space<vmem>>, %arg6: memref<1000x128xf32, #tpu.memory_space<vmem>>) attributes {dimension_semantics = [#tpu.dimension_semantics<arbitrary>], iteration_bounds = array<i64: 10>, scalar_prefetch = 0 : i64, scratch_operands = 0 : i64, tpu.core_type = #tpu.core_type<tc>, window_params = [{transform_indices = @transform_0, window_bounds = array<i64: 1000, 128>}, {transform_indices = @transform_1, window_bounds = array<i64: 2, 1000, 128>}, {transform_indices = @transform_2, window_bounds = array<i64: 1000, 32>}, {pipeline_mode = #tpu.pipeline_mode<synchronous>, transform_indices = @transform_3, window_bounds = array<i64: 256, 128>}, {pipeline_mode = #tpu.pipeline_mode<synchronous>, transform_indices = @transform_4, window_bounds = array<i64: 1, 128>}, {transform_indices = @transform_5, window_bounds = array<i64: 1000, 128>}]} {
    %get3A = arith.constant 0 : index
    %get3A_0 = arith.constant 0 : index
    %get3A_1 = vector.load %arg1[%get3A, %get3A_0] : memref<1000x128xf32, #tpu.memory_space<vmem>>, vector<1000x128xf32>
    %get3A_2 = arith.constant 0 : index
    %get3A_3 = arith.constant 0 : index
    %get3A_4 = arith.constant 0 : index
    %get3A_5 = vector.load %arg2[%get3A_2, %get3A_3, %get3A_4] : memref<2x1000x128xf32, #tpu.memory_space<vmem>>, vector<1x1000x128xf32>
    %get3A_6 = vector.shape_cast %get3A_5 : vector<1x1000x128xf32> to vector<1000x128xf32>
    %get3A_7 = arith.constant 1 : index
    %get3A_8 = arith.constant 0 : index
    %get3A_9 = arith.constant 0 : index
    %get3A_10 = vector.load %arg2[%get3A_7, %get3A_8, %get3A_9] : memref<2x1000x128xf32, #tpu.memory_space<vmem>>, vector<1x1000x128xf32>
    %get3A_11 = vector.shape_cast %get3A_10 : vector<1x1000x128xf32> to vector<1000x128xf32>
    %add3A = arith.addf %get3A_6, %get3A_11 : vector<1000x128xf32>
    %get3A_12 = arith.constant 0 : index
    %get3A_13 = arith.constant 0 : index
    %get3A_14 = vector.load %arg3[%get3A_12, %get3A_13] : memref<1000x32xf32, #tpu.memory_space<vmem>>, vector<1000x32xf32>
    %reduce_sum3A = arith.constant dense<0.000000e+00> : vector<1000xf32>
    %reduce_sum3A_15 = vector.multi_reduction <add>, %get3A_14, %reduce_sum3A [1] : vector<1000x32xf32> to vector<1000xf32>
    %max3A = arith.constant 1.000000e+00 : f32
    %max3A_16 = vector.broadcast %max3A : f32 to vector<1000xf32>
    %max3A_17 = arith.maximumf %reduce_sum3A_15, %max3A_16 : vector<1000xf32>
    %broadcast_in_dim3A = vector.shape_cast %max3A_17 : vector<1000xf32> to vector<1000x1xf32>
    %div3A = vector.broadcast %broadcast_in_dim3A : vector<1000x1xf32> to vector<1000x128xf32>
    %div3A_18 = arith.divf %add3A, %div3A : vector<1000x128xf32>
    %get3A_19 = arith.constant 0 : index
    %get3A_20 = arith.constant 0 : index
    %get3A_21 = vector.load %arg4[%get3A_19, %get3A_20] : memref<256x128xf32, #tpu.memory_space<vmem>>, vector<256x128xf32>
    %slice3A = vector.extract_strided_slice %get3A_21 {offsets = [0, 0], sizes = [128, 128], strides = [1, 1]} : vector<256x128xf32> to vector<128x128xf32>
    %dot_general3A = arith.constant dense<0.000000e+00> : vector<1000x128xf32>
    %dot_general3A_22 = tpu.matmul %get3A_1, %slice3A, %dot_general3A {dimension_numbers = #tpu.dot_dimension_numbers<[1], [0], [0], [1], [0, 0, 1, 1], [], []>, transpose_lhs_hint = false} : vector<1000x128xf32>, vector<128x128xf32>, vector<1000x128xf32> -> vector<1000x128xf32>
    %slice3A_23 = vector.extract_strided_slice %get3A_21 {offsets = [128, 0], sizes = [128, 128], strides = [1, 1]} : vector<256x128xf32> to vector<128x128xf32>
    %dot_general3A_24 = arith.constant dense<0.000000e+00> : vector<1000x128xf32>
    %dot_general3A_25 = tpu.matmul %div3A_18, %slice3A_23, %dot_general3A_24 {dimension_numbers = #tpu.dot_dimension_numbers<[1], [0], [0], [1], [0, 0, 1, 1], [], []>, transpose_lhs_hint = false} : vector<1000x128xf32>, vector<128x128xf32>, vector<1000x128xf32> -> vector<1000x128xf32>
    %add3A_26 = arith.addf %dot_general3A_22, %dot_general3A_25 : vector<1000x128xf32>
    %get3A_27 = arith.constant 0 : index
    %get3A_28 = arith.constant 0 : index
    %get3A_29 = vector.load %arg5[%get3A_27, %get3A_28] : memref<1x128xf32, #tpu.memory_space<vmem>>, vector<1x128xf32>
    %add3A_30 = vector.broadcast %get3A_29 : vector<1x128xf32> to vector<1000x128xf32>
    %add3A_31 = arith.addf %add3A_26, %add3A_30 : vector<1000x128xf32>
    %max3A_32 = arith.constant 0.000000e+00 : f32
    %max3A_33 = vector.broadcast %max3A_32 : f32 to vector<1000x128xf32>
    %max3A_34 = arith.maximumf %add3A_31, %max3A_33 : vector<1000x128xf32>
    %swap3A = arith.constant 0 : index
    %swap3A_35 = arith.constant 0 : index
    %swap3A_36 = vector.load %arg6[%swap3A, %swap3A_35] : memref<1000x128xf32, #tpu.memory_space<vmem>>, vector<1000x128xf32>
    tpu.vector_store %arg6[%swap3A, %swap3A_35], %max3A_34 {strides = array<i32>} : memref<1000x128xf32, #tpu.memory_space<vmem>>, vector<1000x128xf32>,
    return
  }
  func.func @transform_0(%arg0: i32) -> (i32, i32) {
    %c0_i32 = arith.constant 0 : i32
    %c0_i32_0 = arith.constant 0 : i32
    return %arg0, %c0_i32 : i32, i32
  }
  func.func @transform_1(%arg0: i32) -> (i32, i32, i32) {
    %c0_i32 = arith.constant 0 : i32
    %c0_i32_0 = arith.constant 0 : i32
    %c0_i32_1 = arith.constant 0 : i32
    return %c0_i32, %arg0, %c0_i32_0 : i32, i32, i32
  }
  func.func @transform_2(%arg0: i32) -> (i32, i32) {
    %c0_i32 = arith.constant 0 : i32
    %c0_i32_0 = arith.constant 0 : i32
    return %arg0, %c0_i32 : i32, i32
  }
  func.func @transform_3(%arg0: i32) -> (i32, i32) {
    %c0_i32 = arith.constant 0 : i32
    %c0_i32_0 = arith.constant 0 : i32
    %c0_i32_1 = arith.constant 0 : i32
    return %c0_i32, %c0_i32_0 : i32, i32
  }
  func.func @transform_4(%arg0: i32) -> (i32, i32) {
    %c0_i32 = arith.constant 0 : i32
    %c0_i32_0 = arith.constant 0 : i32
    %c0_i32_1 = arith.constant 0 : i32
    return %c0_i32, %c0_i32_0 : i32, i32
  }
  func.func @transform_5(%arg0: i32) -> (i32, i32) {
    %c0_i32 = arith.constant 0 : i32
    %c0_i32_0 = arith.constant 0 : i32
    return %arg0, %c0_i32 : i32, i32
  }
}

</mosaic_0001>

<sc_bundles>
// kernel: kernel.4.cloned.1.call-start
scs
__scs_entry_jumppad:
0x0: {  	(pc) =	sbr.rel $0x88, $3  }
0x1: {  	(tag) =	ssettag $0x0;
	lr =	simm.s32 $0x1  }
0x2: {  	[smem:$0x3F9D] =	sst lr;
	_ =	strace $0xD0000000  }
0x3: {  	_ = 	snop  }
0x4: {  	_ = 	snop  }
0x5: {  	_ = 	snop  }
0x6: {  	_ = 	snop  }
0x7: {  	_ = 	snop  }
__scs_overlays_trampoline_lowered:
0x8: {  	[smem:$0x3FAC] =	sst s0  }
0x9: {  	[smem:$0x3FAD] =	sst s1  }
0xa: {  	[smem:$0x3FAE] =	sst s2  }
0xb: {  	[smem:$0x3FAF] =	sst s3  }
0xc: {  	[smem:$0x3FB0] =	sst s4  }
0xd: {  	[smem:$0x3FB1] =	sst s5  }
0xe: {  	[smem:$0x3FB2] =	sst s6  }
0xf: {  	[smem:$0x3FB3] =	sst s7  }
0x10: {  	[smem:$0x3FB4] =	sst s8  }
0x11: {  	[smem:$0x3FB5] =	sst s9;
	s0 =	simm.s32 @!p0 $0x0  }
0x12: {  	s1 =	sld [smem:$0x3F9B];
	s0 =	simm.s32 @p0 $0x1  }
0x13: {  	[smem:$0x3FB6] =	sst s0;
	s0 =	simm.s32 @!p1 $0x0  }
0x14: {  	s2 =	sld [smem:$0x3F9A];
	s0 =	simm.s32 @p1 $0x1  }
0x15: {  	[smem:$0x3FB7] =	sst s0;
	s0 =	simm.s32 @!p2 $0x0  }
0x16: {  	s3 =	sld [smem:$0x3FDB];
	s0 =	simm.s32 @p2 $0x1  }
0x17: {  	s4 =	simm.s32 $0x1BF5;
	[smem:$0x3FB9] =	sst s0  }
0x18: {  	s0 =	sld [smem:$0x3F9C];
	_ =	swait.ge [sflag:s4], $0x0  }
0x19: {  	s7 =	sld [smem:$0x3F9D]  }
0x1a: {  	s8 =	sadd.s32 $0xFFFFE003, lr  }
0x1b: {  	s9 =	sadd.s32 $0xFFFFFEF7, lr;
	s5 =	simm.s32 $0xFFFFFFFF;
	p2 =	slt.u32 s8, $0xFFFFF086  }
0x1c: {  	p1 =	slt.u32 s9, $0xF7A;
	s5 =	simm.s32 @!p2 $0x0  }
0x1d: {  	s5 =	simm.s32 @p1 $0x1;
	p0 =	seq.s32 s7, s2  }
0x1e: {  	s7 =	smul.u32 @!p0 $0xF7A, s2;
	p2 =	seq.s32 @!p0 s5, $0x0  }
0x1f: {  	s9 =	smul.u32 $0xF7A, s1;
	s8 =	simm.s32 @!p0 $0x1BF5;
	p2 =	por !p2, p0  }
0x20: {  	[sflag:s8] =	ssyncset.s32 @!p0 $0xFFFFF086;
	s6 =	sadd.s32 @!p0 s3, s7;
	s7 =	simm.s32 @!p0 $0x108  }
0x21: {  	s3 =	sadd.s32 s3, s9;
	s6 =	sadd.s32 @!p0 $0x88, s6;
	s7 =	simm.s32 @p2 $0x1082  }
0x22: {  	[simem:s7], [sflag:s8] =	dma.local @!p0 [hbm:s6], $0xF7A  }
0x23: {  	s9 =	sor.u32 $0xD0000000, s2;
	s6 =	simm.s32 $0x108;
	_ =	swait.ge @!p0 [sflag:s8], $0x0  }
0x24: {  	s3 =	sadd.s32 $0x88, s3;
	s6 =	simm.s32 @!p1 $0x1082;
	[sflag:s4] =	ssyncset.s32 $0xFFFFF086  }
0x25: {  	[simem:s6], [sflag:s4] =	dma.local [hbm:s3], $0xF7A  }
0x26: {  	[smem:$0x3F9D] =	sst s1;
	(tag) =	ssettag s2;
	_ =	strace s9  }
0x27: {  	s1 =	sld [smem:$0x3FAD]  }
0x28: {  	s2 =	sld [smem:$0x3FAE]  }
0x29: {  	s4 =	sld [smem:$0x3FB0]  }
0x2a: {  	p0 =	seq.s32 s5, $0x0;
	s5 =	sld [smem:$0x3FB1]  }
0x2b: {  	s6 =	sld [smem:$0x3FB2]  }
0x2c: {  	s7 =	sld [smem:$0x3FB3]  }
0x2d: {  	s3 =	simm.s32 $0x108;
	s8 =	sld [smem:$0x3FB4]  }
0x2e: {  	s3 =	simm.s32 @!p0 $0x1082;
	s9 =	sld [smem:$0x3FB5]  }
0x2f: {  	lr =	sadd.s32 s0, s3;
	s0 =	sld [smem:$0x3FAC]  }
0x30: {  	s3 =	sld [smem:$0x3FAF]  }
0x31: {  	[smem:$0x3FB8] =	sst s10  }
0x32: {  	s10 =	sld [smem:$0x3FB6];
	_ =	sdelay $0x3  }
0x33: {  	p0 =	seq.s32 s10, $0x1;
	s10 =	sld [smem:$0x3FB8];
	_ =	sdelay $0x3  }
0x34: {  	[smem:$0x3FB8] =	sst s10  }
0x35: {  	s10 =	sld [smem:$0x3FB7];
	_ =	sdelay $0x3  }
0x36: {  	p1 =	seq.s32 s10, $0x1;
	s10 =	sld [smem:$0x3FB8];
	_ =	sdelay $0x3  }
0x37: {  	[smem:$0x3FB8] =	sst s10  }
0x38: {  	s10 =	sld [smem:$0x3FB9]  }
0x39: {  	_ = 	snop;
	(pc) =	sbr.ind lr, $3  }
0x3a: {  	_ = 	snop  }
0x3b: {  	_ = 	snop  }
0x3c: {  	p2 =	seq.s32 s10, $0x1;
	s10 =	sld [smem:$0x3FB8]  }
0x3d: {  	_ =	shalt  }
0x3e: {  	_ =	shalt  }
0x3f: {  	_ =	shalt  }
0x40: {  	_ =	shalt  }
0x41: {  	_ =	shalt  }
0x42: {  	_ =	shalt  }
0x43: {  	_ =	shalt  }
0x44: {  	_ =	shalt  }
0x45: {  	_ =	shalt  }
0x46: {  	_ =	shalt  }
0x47: {  	_ =	shalt  }
0x48: {  	_ =	shalt  }
0x49: {  	_ =	shalt  }
0x4a: {  	_ =	shalt  }
0x4b: {  	_ =	shalt  }
0x4c: {  	_ =	shalt  }
0x4d: {  	_ =	shalt  }
0x4e: {  	_ =	shalt  }
0x4f: {  	_ =	shalt  }
0x50: {  	_ =	shalt  }
0x51: {  	_ =	shalt  }
0x52: {  	_ =	shalt  }
0x53: {  	_ =	shalt  }
0x54: {  	_ =	shalt  }
0x55: {  	_ =	shalt  }
0x56: {  	_ =	shalt  }
0x57: {  	_ =	shalt  }
0x58: {  	_ =	shalt  }
0x59: {  	_ =	shalt  }
0x5a: {  	_ =	shalt  }
0x5b: {  	_ =	shalt  }
0x5c: {  	_ =	shalt  }
0x5d: {  	_ =	shalt  }
0x5e: {  	_ =	shalt  }
0x5f: {  	_ =	shalt  }
0x60: {  	_ =	shalt  }
0x61: {  	_ =	shalt  }
0x62: {  	_ =	shalt  }
0x63: {  	_ =	shalt  }
0x64: {  	_ =	shalt  }
0x65: {  	_ =	shalt  }
0x66: {  	_ =	shalt  }
0x67: {  	_ =	shalt  }
0x68: {  	_ =	shalt  }
0x69: {  	_ =	shalt  }
0x6a: {  	_ =	shalt  }
0x6b: {  	_ =	shalt  }
0x6c: {  	_ =	shalt  }
0x6d: {  	_ =	shalt  }
0x6e: {  	_ =	shalt  }
0x6f: {  	_ =	shalt  }
0x70: {  	_ =	shalt  }
0x71: {  	_ =	shalt  }
0x72: {  	_ =	shalt  }
0x73: {  	_ =	shalt  }
0x74: {  	_ =	shalt  }
0x75: {  	_ =	shalt  }
0x76: {  	_ =	shalt  }
0x77: {  	_ =	shalt  }
0x78: {  	_ =	shalt  }
0x79: {  	_ =	shalt  }
0x7a: {  	_ =	shalt  }
0x7b: {  	_ =	shalt  }
0x7c: {  	_ =	shalt  }
0x7d: {  	_ =	shalt  }
0x7e: {  	_ =	shalt  }
0x7f: {  	_ =	shalt  }
0x80: {  	_ =	shalt  }
0x81: {  	_ =	shalt  }
0x82: {  	_ =	shalt  }
0x83: {  	_ =	shalt  }
0x84: {  	_ =	shalt  }
0x85: {  	_ =	shalt  }
0x86: {  	_ =	shalt  }
0x87: {  	_ =	shalt  }
.Lfunc_end0:
.L_simem_size_0:
called_computation_lowered:
.L_overlay_start_0:
0x88: {  	s2 =	sld [smem:$0x3FD9]  }
0x89: {  	s3 =	sld [smem:$0x3FFE];
	_ =	sdelay $0x1  }
0x8a: {  	s1 =	srdreg.scid  }
0x8b: {  	s0 =	sand.u32 $0x1, s1  }
0x8c: {  	s17 =	sshll.u32 s0, $0xA;
	s2 =	sadd.s32 s3, s2  }
0x8d: {  	s2 =	sadd.s32 s2, s17  }
0x8e: {  	[smem:$0x3FC4] =	sst s2  }
0x8f: {  	_ = 	snop  }
0x90: {  	s2 =	sld [smem:$0x3FC9]  }
0x91: {  	s18 =	sld [smem:$0x3FD0];
	(tm) =	ssettm $0x1  }
0x92: {  	s4 =	sld [smem:$0x3FFB];
	_ =	sdelay $0x3  }
0x93: {  	_ =	strace s4  }
0x94: {  	s4 =	sld [smem:$0x3FFC];
	_ =	sdelay $0x3  }
0x95: {  	_ =	strace s4  }
0x96: {  	s4 =	sld [smem:$0x3FFD];
	_ =	sdelay $0x3  }
0x97: {  	_ =	strace s4  }
0x98: {  	_ =	strace $0x8FFFFFFF  }
0x99: {  	s19 =	sld [smem:$0x3FDB];
	_ =	sdelay $0x1  }
0x9a: {  	s5 =	simm.s32 $_scs_section_size  }
0x9b: {  	s6 =	simm.s32 $_size__tile_overlayer_lowered;
	s7 =	simm.s32 $_tile_overlayer_lowered  }
0x9c: {  	s22 =	simm.s32 $0x1BFF;
	s21 =	sshll.u32 s7, $0x1;
	s4 =	sadd.s32 s5, s19  }
0x9d: {  	s8 =	simm.s32 $0x0;
	s20 =	sshll.u32 s6, $0x1;
	s6 =	sadd.s32 s21, s4  }
0x9e: {  	[timem:s8], [sflag:s22] =	dma.local [hbm:s6], s20  }
0x9f: {  	_ =	swait.ge [sflag:s22], s20  }
0xa0: {  	s5 =	ssub.s32 $0x0, s20;
	[sflag:s22] =	ssyncset.done $0x0  }
0xa1: {  	[sflag:s22] =	ssyncadd.s32 s5;
	_ =	sdelay $0x1  }
0xa2: {  	s23 =	simm.s32 $0x1B8B  }
0xa3: {  	_ =	swait.ge [sflag:s23], $0x1  }
0xa4: {  	[sflag:s23] =	ssyncset.done $0x0  }
0xa5: {  	s25 =	simm.s32 $0x1B8E;
	s24 =	sld [smem:$0x3FFE];
	[sflag:s23] =	ssyncadd.s32 $0xFFFFFFFF  }
0xa6: {  	s26 =	simm.s32 $execute0_lowered;
	[smem:$0x3FD2] =	sst s25  }
0xa7: {  	s6 =	sshll.u32 s26, $0x1;
	_ =	strace $0x80000046;
	[dreg:$0x1] =	wrdreg $0xFFFFFFFF  }
0xa8: {  	s28 =	simm.s32 $_size_execute0_lowered;
	s4 =	sadd.s32 s4, s6;
	[dreg:$0x0] =	wrdreg $0x0  }
0xa9: {  	s6 =	sshll.u32 s28, $0x1;
	[dreg:$0x2] =	wrdreg s4  }
0xaa: {  	[dreg:$0x3] =	wrdreg s6  }
0xab: {  	[dreg:$0x4] =	wrdreg $0xC0  }
0xac: {  	_ =	task [dreg:s8], $0x5FFFF  }
0xad: {  	[dreg:$0x1] =	wrdreg $0xFFFFFFFF  }
0xae: {  	[dreg:$0x0] =	wrdreg $0x60  }
0xaf: {  	[dreg:$0x2] =	wrdreg s2  }
0xb0: {  	[dreg:$0x3] =	wrdreg s18  }
0xb1: {  	[dreg:$0x4] =	wrdreg s24  }
0xb2: {  	[dreg:$0x5] =	wrdreg $0xAB800  }
0xb3: {  	[dreg:$0x6] =	wrdreg $0x9  }
0xb4: {  	_ =	task.clear_ibuf [dreg:s8], $0x7FFFF;
	_ =	strace $0x90000046  }
0xb5: {  	s29 =	simm.s32 $0x9;
	_ =	strace $0x80000048  }
0xb6: {  	_ =	swait.ge [sflag:s29], $0x1  }
0xb7: {  	[sflag:s29] =	ssyncadd.s32 $0xFFFFFFFF  }
0xb8: {  	_ =	strace $0x90000048  }
0xb9: {  	_ =	sfence  }
0xba: {  	s30 =	sld [smem:$0x0];
	_ =	sdelay $0x2  }
0xbb: {  	s31 =	sshll.u32 s1, $0xD;
	s1 =	sshrl.u32 s1, $0x2  }
0xbc: {  	s3 =	sand.u32 $0x4000, s31;
	s1 =	sadd.s32 s1, s30  }
0xbd: {  	s0 =	sor.u32 s3, s0;
	s1 =	sshll.u32 s1, $0x11  }
0xbe: {  	s0 =	sor.u32 s1, s0  }
0xbf: {  	s0 =	sadd.s32 $0x8F2B, s0  }
0xc0: {  	[sflag:s0] =	ssyncadd.remote.s32 $0x1  }
0xc1: {  	_ =	sfence.sel $0xFFFF  }
0xc2: {  	[dreg:$0x0] =	wrdreg $0xFFFFFFFF;
	(pc) =	sbr.abs _section_cstart, $3  }
0xc3: {  	[dreg:$0x1] =	wrdreg $0xFFFFFFFF  }
0xc4: {  	_ =	task.clear_ibuf [dreg:s8], $0x2FFFF;
	_ =	strace $0x9FFFFFFF  }
0xc5: {  	(tm) =	ssettm $0x7FFFFFFF  }
tec
execute0_lowered:
.L_overlay_start_1:
0x0: {  	(tag) =	ssettag $0x1  }
0x1: {  	s0 =	rddreg [dreg:$0x0]  }
0x2: {  	s1 =	rddreg [dreg:$0x2];
	s2 =	srdreg.scid  }
0x3: {  	s4 =	rddreg [dreg:$0x3];
	s11 =	stileid.u32  }
0x4: {  	s5 =	simm.s32 $0x0;
	s13 =	simm.s32 $0xA380;
	s14 =	simm.s32 $0x7  }
0x5: {  	s16 =	simm.s32 $0x32;
	s17 =	simm.s32 $0x2800;
	s18 =	simm.s32 $0x80  }
0x6: {  	s28 =	simm.s32 $0x5;
	s29 =	simm.s32 $0x6;
	s30 =	simm.s32 $0x2600  }
0x7: {  	s31 =	simm.s32 $0x1380;
	s2 =	sand.u32 $0x1, s2;
	s7 =	smul.u32 $0x13800, s11  }
0x8: {  	[smem:$0x7FF] =	sst s5;
	s6 =	sshrl.u32 s11, $0x3;
	s10 =	smul.u32 $0x4E000, s11  }
0x9: {  	s19 =	sshll.u32 s11, $0x7;
	s23 =	sshll.u32 s11, $0x1;
	s3 =	smul.u32 $0x138800, s2  }
0xa: {  	p0 =	seq.s32 s11, $0xF;
	s11 =	simm.s32 $0x28;
	s8 =	smul.u32 $0x27800, s2  }
0xb: {  	_ =	strace $0x80000047;
	s9 =	smul.u32 $0x13C00, s6;
	s6 =	sadd.s32 $0xE00, s1  }
0xc: {  	s20 =	ssub.s32 $0x2, s2;
	s2 =	sor.u32 s2, s23;
	s11 =	simm.s32 @!p0 $0x27  }
0xd: {  	s23 =	simm.s32 $0x7C00;
	s21 =	sshrl.u32 s20, $0x1;
	s24 =	sshrl.u32 s10, $0x2  }
0xe: {  	s10 =	simm.s32 $0x2780;
	[dreg:$0x5] =	wrdreg s11;
	s3 =	sadd.s32 s7, s3  }
0xf: {  	s8 =	sadd.s32 s8, s9;
	s7 =	sand.u32 $0x380, s19;
	s22 =	ssub.s32 s20, s21  }
0x10: {  	s12 =	sadd.s32 s24, s4;
	s9 =	smul.u32 $0x6400, s2;
	s19 =	simm.s32 $0x4400  }
0x11: {  	s20 =	simm.s32 $0x100;
	s21 =	simm.s32 $0x6000;
	s24 =	simm.s32 $0x2  }
0x12: {  	s2 =	simm.s32 $0x2680;
	s3 =	sshrl.u32 s3, $0x3;
	s7 =	sor.u32 s7, s8  }
0x13: {  	s25 =	smax.u32 s22, $0x1;
	s22 =	simm.s32 $0x1;
	[dreg:$0x6] =	wrdreg s12  }
0x14: {  	s3 =	sadd.s32 s3, s1;
	s7 =	sshrl.u32 s7, $0x3;
	[dreg:$0x8] =	wrdreg s25  }
0x15: {  	s25 =	simm.s32 $0x3;
	s1 =	sadd.s32 s7, s1;
	s26 =	sadd.s32 $0x23C00, s3  }
0x16: {  	s3 =	simm.s32 $0x2700;
	s1 =	sadd.s32 $0x19E00, s1;
	[dreg:$0x9] =	wrdreg s26  }
0x17: {  	v0 =	vimm.f32 $0.0e+00;
	v1 =	vimm.f32 $1.000000000e+00;
	vm0 =	vcmask $0x3F38;
	s7 =	simm.s32 $0x0;
	s26 =	simm.s32 $0x4;
	[dreg:$0x7] =	wrdreg s1  }
.LBB2_1:
0x18: {  	[dreg:$0xa] =	wrdreg s7;
	s1 =	simm.s32 $0x0;
	s7 =	simm.s32 $0x200  }
.LBB2_2:
0x19: {  	p0 =	sne.s32 s7, $0x1E00;
	[tilespmem:s1+$0xA3F0] =	vst v0  }
0x1a: {  	[tilespmem:s1+$0xA380] =	vst v0  }
0x1b: {  	[tilespmem:s1+$0xA390] =	vst v0  }
.Ltmp0:
0x1c: {  	[tilespmem:s1+$0xA3A0] =	vst v0;
	(pc) =	sbr.rel @p0 .LBB2_2-.Ltmp0, $4  }
0x1d: {  	[tilespmem:s1+$0xA3B0] =	vst v0  }
0x1e: {  	[tilespmem:s1+$0xA3C0] =	vst v0  }
0x1f: {  	[tilespmem:s1+$0xA3D0] =	vst v0  }
0x20: {  	[tilespmem:s1+$0xA3E0] =	vst v0;
	s1 =	sshra.s32 s7, $0x2;
	s7 =	sadd.s32 $0x200, s7  }
0x21: {  	[tilespmem:s1+$0xA3F0] =	vst v0  }
0x22: {  	[tilespmem:s1+$0xA380] =	vst v0  }
0x23: {  	[tilespmem:s1+$0xA390] =	vst v0  }
0x24: {  	[tilespmem:s1+$0xA3A0] =	vst v0  }
0x25: {  	[tilespmem:s1+$0xA3B0] =	vst v0  }
0x26: {  	[tilespmem:s1+$0xA3C0] =	vst v0  }
0x27: {  	[tilespmem:s1+$0xA3D0] =	vst v0  }
0x28: {  	[tilespmem:s1+$0xA3E0] =	vst v0;
	s1 =	simm.s32 $0x40;
	s7 =	simm.s32 $0x0  }
.LBB2_4:
0x29: {  	p0 =	sne.s32 s1, $0x9C00;
	[tilespmem:s7+$0x7C00] =	vst v0;
	s7 =	smov.u32 s1;
	s1 =	sadd.s32 $0x40, s1  }
.Ltmp1:
0x2a: {  	(pc) =	sbr.rel @p0 .LBB2_4-.Ltmp1, $2  }
0x2b: {  	_ =	sdelay $0x2  }
0x2c: {  	s7 =	sshra.s32 s7, $0x2  }
0x2d: {  	p0 =	sne.s32 s11, $0x1  }
.Ltmp2:
0x2e: {  	_ = 	snop;
	(pc) =	sbr.rel @!p0 .LBB2_7-.Ltmp2, $4  }
0x2f: {  	[tilespmem:s7+$0x7C00] =	vst v0  }
0x30: {  	[spmem:s12] =	stream.linear.scatter [tilespmem:s13], [sflag:$0x7], $0x800, $0x38;
	[tilespmem:$0x1E400] =	vst v63  }
0x31: {  	_ =	swait.ge [sflag:s14], $0x800  }
0x32: {  	s1 =	sadd.s32 $0xFFFFFFFF, s11;
	s7 =	smov.u32 s12;
	[sflag:s14] =	ssyncset.done $0x0  }
.LBB2_6:
0x33: {  	p1 =	sne.s32 s1, $0x1;
	[sflag:s14] =	ssyncadd.s32 $0xFFFFF800;
	s7 =	sadd.s32 $0x800, s7  }
.Ltmp3:
0x34: {  	s1 =	sadd.s32 $0xFFFFFFFF, s1;
	(pc) =	sbr.rel @p1 .LBB2_6-.Ltmp3, $4  }
0x35: {  	_ = 	snop  }
0x36: {  	[spmem:s7] =	stream.linear.scatter [tilespmem:s13], [sflag:$0x7], $0x800, $0x38;
	[tilespmem:$0x1E400] =	vst v63  }
0x37: {  	_ =	swait.ge [sflag:s14], $0x800  }
0x38: {  	[sflag:s14] =	ssyncset.done $0x0  }
.LBB2_7:
0x39: {  	[sflag:s14] =	ssyncadd.s32 $0xFFFFF800  }
0x3a: {  	s12 =	simm.s32 $0x0;
	s7 =	simm.s32 $0x0;
	[bflag:$0x0] =	sbarrier.arrive $0xFFFF  }
.LBB2_8:
0x3b: {  	s1 =	smul.u32 $0x1400, s7;
	_ =	sdelay $0x1  }
0x3c: {  	s1 =	sadd.s32 s9, s1  }
0x3d: {  	s8 =	rddreg [dreg:$0x1];
	s1 =	sshrl.u32 s1, $0x3  }
0x3e: {  	s8 =	sadd.s32 s8, s1  }
0x3f: {  	[tilespmem:s12], [sflag:$0x7] =	stream.linear.gather [hbm4b:s8+s12], $0x1400, $0x38;
	[tilespmem:$0x1E400] =	vst v63  }
0x40: {  	_ =	swait.ge [sflag:s14], $0x1400  }
0x41: {  	[sflag:s14] =	ssyncset.done $0x0  }
0x42: {  	s15 =	simm.s32 $0x1400;
	s1 =	sadd.s32 s6, s1;
	[sflag:s14] =	ssyncadd.s32 $0xFFFFEC00  }
0x43: {  	[tilespmem:s15], [sflag:$0x7] =	stream.linear.gather [hbm4b:s1+s12], $0x1400, $0x38;
	[tilespmem:$0x1E400] =	vst v63  }
0x44: {  	_ =	swait.ge [sflag:s14], $0x1400  }
0x45: {  	[sflag:s14] =	ssyncset.done $0x0  }
0x46: {  	[sflag:s14] =	ssyncadd.s32 $0xFFFFEC00  }
0x47: {  	[tilespmem:s17], [sflag:$0x1] =	stream.indirect.gather [hbm4b:s0+s16], $0x80, s12, s16, $0xb8;
	[tilespmem:$0x1E400] =	vst v63  }
0x48: {  	_ = 	snop  }
0x49: {  	[tilespmem:s19], [sflag:$0x2] =	stream.indirect.gather [hbm4b:s0+s16], $0x80, s18, s16, $0xb8;
	[tilespmem:$0x1E400] =	vst v63  }
0x4a: {  	s11 =	simm.s32 $0x0;
	s8 =	simm.s32 $0xFFFFFFFE  }
0x4b: {  	[tilespmem:s21], [sflag:$0x3] =	stream.indirect.gather [hbm4b:s0+s16], $0x80, s20, s16, $0xb8;
	[tilespmem:$0x1E400] =	vst v63  }
.LBB2_9:
0x4c: {  	_ =	swait.ge [sflag:s22], $0x1900  }
0x4d: {  	s1 =	sshra.s32 s11, $0x2;
	[sflag:s22] =	ssyncset.done $0x0  }
0x4e: {  	s15 =	sadd.s32 $0x1400, s1;
	[sflag:s22] =	ssyncadd.s32 $0xFFFFE700  }
0x4f: {  	[spmem:s4] =	stream.indirect.scatter.add.f32 [tilespmem:s17], [sflag:$0x4], $0x80, s15, s16, $0xb8;
	[tilespmem:$0x1E400] =	vst v63  }
0x50: {  	v2 =	vld [tilespmem:s1+$0x1400];
	_ =	sdelay $0x7  }
0x51: {  	[tilespmem:v2+s23+$0x0] =	vst.idx.add.f32.msk $0xffff, v1  }
0x52: {  	v2 =	vld [tilespmem:s1+$0x1410];
	_ =	sdelay $0x7  }
0x53: {  	[tilespmem:v2+s23+$0x0] =	vst.idx.add.f32.msk $0xffff, v1  }
0x54: {  	v2 =	vld [tilespmem:s1+$0x1420];
	_ =	sdelay $0x7  }
0x55: {  	[tilespmem:v2+s23+$0x0] =	vst.idx.add.f32.msk $0xffff, v1  }
0x56: {  	v2 =	vld [tilespmem:s1+$0x1422];
	_ =	sdelay $0x7  }
0x57: {  	[tilespmem:v2+s23+$0x0] =	vst.idx.add.f32.msk vm0, v1  }
0x58: {  	_ =	swait.ge [sflag:s24], $0x1900  }
0x59: {  	[sflag:s24] =	ssyncset.done $0x0  }
0x5a: {  	s15 =	sadd.s32 $0x1480, s1;
	[sflag:s24] =	ssyncadd.s32 $0xFFFFE700  }
0x5b: {  	[spmem:s4] =	stream.indirect.scatter.add.f32 [tilespmem:s19], [sflag:$0x5], $0x80, s15, s16, $0xb8;
	[tilespmem:$0x1E400] =	vst v63  }
0x5c: {  	v2 =	vld [tilespmem:s1+$0x1480];
	_ =	sdelay $0x7  }
0x5d: {  	[tilespmem:v2+s23+$0x0] =	vst.idx.add.f32.msk $0xffff, v1  }
0x5e: {  	v2 =	vld [tilespmem:s1+$0x1490];
	_ =	sdelay $0x7  }
0x5f: {  	[tilespmem:v2+s23+$0x0] =	vst.idx.add.f32.msk $0xffff, v1  }
0x60: {  	v2 =	vld [tilespmem:s1+$0x14A0];
	_ =	sdelay $0x7  }
0x61: {  	[tilespmem:v2+s23+$0x0] =	vst.idx.add.f32.msk $0xffff, v1  }
0x62: {  	v2 =	vld [tilespmem:s1+$0x14A2];
	_ =	sdelay $0x7  }
0x63: {  	[tilespmem:v2+s23+$0x0] =	vst.idx.add.f32.msk vm0, v1  }
0x64: {  	_ =	swait.ge [sflag:s25], $0x1900  }
0x65: {  	[sflag:s25] =	ssyncset.done $0x0  }
0x66: {  	s15 =	sadd.s32 $0x1500, s1;
	[sflag:s25] =	ssyncadd.s32 $0xFFFFE700  }
0x67: {  	[spmem:s4] =	stream.indirect.scatter.add.f32 [tilespmem:s21], [sflag:$0x6], $0x80, s15, s16, $0xb8;
	[tilespmem:$0x1E400] =	vst v63  }
0x68: {  	v2 =	vld [tilespmem:s1+$0x1500];
	_ =	sdelay $0x7  }
0x69: {  	[tilespmem:v2+s23+$0x0] =	vst.idx.add.f32.msk $0xffff, v1  }
0x6a: {  	v2 =	vld [tilespmem:s1+$0x1510];
	_ =	sdelay $0x7  }
0x6b: {  	[tilespmem:v2+s23+$0x0] =	vst.idx.add.f32.msk $0xffff, v1  }
0x6c: {  	v2 =	vld [tilespmem:s1+$0x1520];
	_ =	sdelay $0x7  }
0x6d: {  	[tilespmem:v2+s23+$0x0] =	vst.idx.add.f32.msk $0xffff, v1  }
0x6e: {  	v2 =	vld [tilespmem:s1+$0x1522];
	_ =	sdelay $0x7  }
0x6f: {  	[tilespmem:v2+s23+$0x0] =	vst.idx.add.f32.msk vm0, v1  }
0x70: {  	_ =	swait.ge [sflag:s26], $0x1900  }
0x71: {  	[sflag:s26] =	ssyncset.done $0x0  }
0x72: {  	s15 =	sadd.s32 $0x180, s1;
	[sflag:s26] =	ssyncadd.s32 $0xFFFFE700  }
0x73: {  	[tilespmem:s17], [sflag:$0x1] =	stream.indirect.gather [hbm4b:s0+s16], $0x80, s15, s16, $0xb8;
	[tilespmem:$0x1E400] =	vst v63  }
0x74: {  	_ =	swait.ge [sflag:s28], $0x1900  }
0x75: {  	[sflag:s28] =	ssyncset.done $0x0  }
0x76: {  	s15 =	sadd.s32 $0x200, s1;
	[sflag:s28] =	ssyncadd.s32 $0xFFFFE700  }
0x77: {  	[tilespmem:s19], [sflag:$0x2] =	stream.indirect.gather [hbm4b:s0+s16], $0x80, s15, s16, $0xb8;
	[tilespmem:$0x1E400] =	vst v63  }
0x78: {  	_ =	swait.ge [sflag:s29], $0x1900  }
0x79: {  	[sflag:s29] =	ssyncset.done $0x0  }
0x7a: {  	s15 =	sadd.s32 $0x280, s1;
	[sflag:s29] =	ssyncadd.s32 $0xFFFFE700  }
0x7b: {  	[tilespmem:s21], [sflag:$0x3] =	stream.indirect.gather [hbm4b:s0+s16], $0x80, s15, s16, $0xb8;
	[tilespmem:$0x1E400] =	vst v63  }
0x7c: {  	_ =	swait.ge [sflag:s22], $0x1900  }
0x7d: {  	[sflag:s22] =	ssyncset.done $0x0  }
0x7e: {  	s15 =	sadd.s32 $0x1580, s1;
	[sflag:s22] =	ssyncadd.s32 $0xFFFFE700  }
0x7f: {  	[spmem:s4] =	stream.indirect.scatter.add.f32 [tilespmem:s17], [sflag:$0x4], $0x80, s15, s16, $0xb8;
	[tilespmem:$0x1E400] =	vst v63  }
0x80: {  	v2 =	vld [tilespmem:s1+$0x1580];
	_ =	sdelay $0x7  }
0x81: {  	[tilespmem:v2+s23+$0x0] =	vst.idx.add.f32.msk $0xffff, v1  }
0x82: {  	v2 =	vld [tilespmem:s1+$0x1590];
	_ =	sdelay $0x7  }
0x83: {  	[tilespmem:v2+s23+$0x0] =	vst.idx.add.f32.msk $0xffff, v1  }
0x84: {  	v2 =	vld [tilespmem:s1+$0x15A0];
	_ =	sdelay $0x7  }
0x85: {  	[tilespmem:v2+s23+$0x0] =	vst.idx.add.f32.msk $0xffff, v1  }
0x86: {  	v2 =	vld [tilespmem:s1+$0x15A2];
	_ =	sdelay $0x7  }
0x87: {  	[tilespmem:v2+s23+$0x0] =	vst.idx.add.f32.msk vm0, v1  }
0x88: {  	_ =	swait.ge [sflag:s24], $0x1900  }
0x89: {  	[sflag:s24] =	ssyncset.done $0x0  }
0x8a: {  	s15 =	sadd.s32 $0x1600, s1;
	[sflag:s24] =	ssyncadd.s32 $0xFFFFE700  }
0x8b: {  	[spmem:s4] =	stream.indirect.scatter.add.f32 [tilespmem:s19], [sflag:$0x5], $0x80, s15, s16, $0xb8;
	[tilespmem:$0x1E400] =	vst v63  }
0x8c: {  	v2 =	vld [tilespmem:s1+$0x1600];
	_ =	sdelay $0x7  }
0x8d: {  	[tilespmem:v2+s23+$0x0] =	vst.idx.add.f32.msk $0xffff, v1  }
0x8e: {  	v2 =	vld [tilespmem:s1+$0x1610];
	_ =	sdelay $0x7  }
0x8f: {  	[tilespmem:v2+s23+$0x0] =	vst.idx.add.f32.msk $0xffff, v1  }
0x90: {  	v2 =	vld [tilespmem:s1+$0x1620];
	_ =	sdelay $0x7  }
0x91: {  	[tilespmem:v2+s23+$0x0] =	vst.idx.add.f32.msk $0xffff, v1  }
0x92: {  	v2 =	vld [tilespmem:s1+$0x1622];
	_ =	sdelay $0x7  }
0x93: {  	[tilespmem:v2+s23+$0x0] =	vst.idx.add.f32.msk vm0, v1  }
0x94: {  	_ =	swait.ge [sflag:s25], $0x1900  }
0x95: {  	[sflag:s25] =	ssyncset.done $0x0  }
0x96: {  	s15 =	sadd.s32 $0x1680, s1;
	[sflag:s25] =	ssyncadd.s32 $0xFFFFE700  }
0x97: {  	[spmem:s4] =	stream.indirect.scatter.add.f32 [tilespmem:s21], [sflag:$0x6], $0x80, s15, s16, $0xb8;
	[tilespmem:$0x1E400] =	vst v63  }
0x98: {  	v2 =	vld [tilespmem:s1+$0x1680];
	_ =	sdelay $0x7  }
0x99: {  	[tilespmem:v2+s23+$0x0] =	vst.idx.add.f32.msk $0xffff, v1  }
0x9a: {  	v2 =	vld [tilespmem:s1+$0x1690];
	_ =	sdelay $0x7  }
0x9b: {  	[tilespmem:v2+s23+$0x0] =	vst.idx.add.f32.msk $0xffff, v1  }
0x9c: {  	v2 =	vld [tilespmem:s1+$0x16A0];
	_ =	sdelay $0x7  }
0x9d: {  	[tilespmem:v2+s23+$0x0] =	vst.idx.add.f32.msk $0xffff, v1  }
0x9e: {  	v2 =	vld [tilespmem:s1+$0x16A2];
	_ =	sdelay $0x7  }
0x9f: {  	[tilespmem:v2+s23+$0x0] =	vst.idx.add.f32.msk vm0, v1  }
0xa0: {  	_ =	swait.ge [sflag:s26], $0x1900  }
0xa1: {  	[sflag:s26] =	ssyncset.done $0x0  }
0xa2: {  	s15 =	sadd.s32 $0x300, s1;
	[sflag:s26] =	ssyncadd.s32 $0xFFFFE700  }
0xa3: {  	[tilespmem:s17], [sflag:$0x1] =	stream.indirect.gather [hbm4b:s0+s16], $0x80, s15, s16, $0xb8;
	[tilespmem:$0x1E400] =	vst v63  }
0xa4: {  	_ =	swait.ge [sflag:s28], $0x1900  }
0xa5: {  	s8 =	sadd.s32 $0x2, s8;
	[sflag:s28] =	ssyncset.done $0x0  }
0xa6: {  	p1 =	slt.u32 s8, $0xA;
	s15 =	sadd.s32 $0x380, s1;
	[sflag:s28] =	ssyncadd.s32 $0xFFFFE700  }
0xa7: {  	[tilespmem:s19], [sflag:$0x2] =	stream.indirect.gather [hbm4b:s0+s16], $0x80, s15, s16, $0xb8;
	[tilespmem:$0x1E400] =	vst v63  }
.Ltmp4:
0xa8: {  	_ = 	snop;
	(pc) =	sbr.rel @p1 .LBB2_9-.Ltmp4, $4  }
0xa9: {  	_ =	swait.ge [sflag:s29], $0x1900  }
0xaa: {  	[sflag:s29] =	ssyncset.done $0x0  }
0xab: {  	s11 =	sadd.s32 $0xC00, s11;
	s1 =	sadd.s32 $0x400, s1;
	[sflag:s29] =	ssyncadd.s32 $0xFFFFE700  }
0xac: {  	[tilespmem:s21], [sflag:$0x3] =	stream.indirect.gather [hbm4b:s0+s16], $0x80, s1, s16, $0xb8;
	[tilespmem:$0x1E400] =	vst v63  }
0xad: {  	_ =	swait.ge [sflag:s22], $0x1900  }
0xae: {  	[sflag:s22] =	ssyncset.done $0x0  }
0xaf: {  	[sflag:s22] =	ssyncadd.s32 $0xFFFFE700  }
0xb0: {  	[spmem:s4] =	stream.indirect.scatter.add.f32 [tilespmem:s17], [sflag:$0x4], $0x80, s30, s16, $0xb8;
	[tilespmem:$0x1E400] =	vst v63  }
0xb1: {  	v2 =	vld [tilespmem:$0x2600];
	_ =	sdelay $0x7  }
0xb2: {  	[tilespmem:v2+s23+$0x0] =	vst.idx.add.f32.msk $0xffff, v1  }
0xb3: {  	v2 =	vld [tilespmem:$0x2610];
	_ =	sdelay $0x7  }
0xb4: {  	[tilespmem:v2+s23+$0x0] =	vst.idx.add.f32.msk $0xffff, v1  }
0xb5: {  	v2 =	vld [tilespmem:$0x2620];
	_ =	sdelay $0x7  }
0xb6: {  	[tilespmem:v2+s23+$0x0] =	vst.idx.add.f32.msk $0xffff, v1  }
0xb7: {  	v2 =	vld [tilespmem:$0x2622];
	_ =	sdelay $0x7  }
0xb8: {  	[tilespmem:v2+s23+$0x0] =	vst.idx.add.f32.msk vm0, v1  }
0xb9: {  	_ =	swait.ge [sflag:s26], $0x1900  }
0xba: {  	[sflag:s26] =	ssyncset.done $0x0  }
0xbb: {  	[sflag:s26] =	ssyncadd.s32 $0xFFFFE700  }
0xbc: {  	[tilespmem:s17], [sflag:$0x1] =	stream.indirect.gather [hbm4b:s0+s16], $0x80, s31, s16, $0xb8;
	[tilespmem:$0x1E400] =	vst v63  }
0xbd: {  	_ =	swait.ge [sflag:s24], $0x1900  }
0xbe: {  	[sflag:s24] =	ssyncset.done $0x0  }
0xbf: {  	[sflag:s24] =	ssyncadd.s32 $0xFFFFE700  }
0xc0: {  	[spmem:s4] =	stream.indirect.scatter.add.f32 [tilespmem:s19], [sflag:$0x5], $0x80, s2, s16, $0xb8;
	[tilespmem:$0x1E400] =	vst v63  }
0xc1: {  	v2 =	vld [tilespmem:$0x2680];
	_ =	sdelay $0x7  }
0xc2: {  	[tilespmem:v2+s23+$0x0] =	vst.idx.add.f32.msk $0xffff, v1  }
0xc3: {  	v2 =	vld [tilespmem:$0x2690];
	_ =	sdelay $0x7  }
0xc4: {  	[tilespmem:v2+s23+$0x0] =	vst.idx.add.f32.msk $0xffff, v1  }
0xc5: {  	v2 =	vld [tilespmem:$0x26A0];
	_ =	sdelay $0x7  }
0xc6: {  	[tilespmem:v2+s23+$0x0] =	vst.idx.add.f32.msk $0xffff, v1  }
0xc7: {  	v2 =	vld [tilespmem:$0x26A2];
	_ =	sdelay $0x7  }
0xc8: {  	[tilespmem:v2+s23+$0x0] =	vst.idx.add.f32.msk vm0, v1  }
0xc9: {  	_ =	swait.ge [sflag:s25], $0x1900  }
0xca: {  	[sflag:s25] =	ssyncset.done $0x0  }
0xcb: {  	[sflag:s25] =	ssyncadd.s32 $0xFFFFE700  }
0xcc: {  	[spmem:s4] =	stream.indirect.scatter.add.f32 [tilespmem:s21], [sflag:$0x6], $0x80, s3, s16, $0xb8;
	[tilespmem:$0x1E400] =	vst v63  }
0xcd: {  	v2 =	vld [tilespmem:$0x2700];
	_ =	sdelay $0x7  }
0xce: {  	[tilespmem:v2+s23+$0x0] =	vst.idx.add.f32.msk $0xffff, v1  }
0xcf: {  	v2 =	vld [tilespmem:$0x2710];
	_ =	sdelay $0x7  }
0xd0: {  	[tilespmem:v2+s23+$0x0] =	vst.idx.add.f32.msk $0xffff, v1  }
0xd1: {  	v2 =	vld [tilespmem:$0x2720];
	_ =	sdelay $0x7  }
0xd2: {  	[tilespmem:v2+s23+$0x0] =	vst.idx.add.f32.msk $0xffff, v1  }
0xd3: {  	v2 =	vld [tilespmem:$0x2722];
	_ =	sdelay $0x7  }
0xd4: {  	[tilespmem:v2+s23+$0x0] =	vst.idx.add.f32.msk vm0, v1  }
0xd5: {  	_ =	swait.ge [sflag:s22], $0x1900  }
0xd6: {  	[sflag:s22] =	ssyncset.done $0x0  }
0xd7: {  	[sflag:s22] =	ssyncadd.s32 $0xFFFFE700  }
0xd8: {  	[spmem:s4] =	stream.indirect.scatter.add.f32 [tilespmem:s17], [sflag:$0x4], $0x80, s10, s16, $0xb8;
	[tilespmem:$0x1E400] =	vst v63  }
0xd9: {  	v2 =	vld [tilespmem:$0x2780];
	_ =	sdelay $0x7  }
0xda: {  	[tilespmem:v2+s23+$0x0] =	vst.idx.add.f32.msk $0xffff, v1  }
0xdb: {  	v2 =	vld [tilespmem:$0x2790];
	_ =	sdelay $0x7  }
0xdc: {  	[tilespmem:v2+s23+$0x0] =	vst.idx.add.f32.msk $0xffff, v1  }
0xdd: {  	v2 =	vld [tilespmem:$0x27A0];
	_ =	sdelay $0x7  }
0xde: {  	[tilespmem:v2+s23+$0x0] =	vst.idx.add.f32.msk $0xffff, v1  }
0xdf: {  	v2 =	vld [tilespmem:$0x27A2];
	_ =	sdelay $0x7  }
0xe0: {  	[tilespmem:v2+s23+$0x0] =	vst.idx.add.f32.msk vm0, v1  }
0xe1: {  	_ =	swait.ge [sflag:s28], $0x1900  }
0xe2: {  	[sflag:s28] =	ssyncset.done $0x0  }
0xe3: {  	s7 =	sadd.s32 $0x1, s7;
	[sflag:s28] =	ssyncadd.s32 $0xFFFFE700  }
0xe4: {  	p1 =	sne.s32 s7, $0x5;
	_ =	swait.ge [sflag:s29], $0x1900  }
.Ltmp5:
0xe5: {  	[sflag:s29] =	ssyncset.done $0x0;
	(pc) =	sbr.rel @p1 .LBB2_8-.Ltmp5, $4  }
0xe6: {  	[sflag:s29] =	ssyncadd.s32 $0xFFFFE700  }
0xe7: {  	_ =	swait.ge [sflag:s26], $0x1900  }
0xe8: {  	[sflag:s26] =	ssyncset.done $0x0  }
0xe9: {  	[sflag:s26] =	ssyncadd.s32 $0xFFFFE700  }
0xea: {  	[bflag:$0x0] =	sbarrier.arrive $0xFFFF  }
0xeb: {  	s12 =	rddreg [dreg:$0x6]  }
0xec: {  	[tilespmem:s13], [sflag:$0x7] =	stream.linear.gather [spmem:s12], $0x800, $0x38;
	[tilespmem:$0x1E400] =	vst v63  }
0xed: {  	_ =	swait.ge [sflag:s14], $0x800  }
0xee: {  	[sflag:s14] =	ssyncset.done $0x0  }
.Ltmp6:
0xef: {  	s7 =	rddreg [dreg:$0x9];
	[sflag:s14] =	ssyncadd.s32 $0xFFFFF800;
	(pc) =	sbr.rel @!p0 .LBB2_13-.Ltmp6, $4  }
0xf0: {  	[hbm4b:s7+s5] =	stream.linear.scatter [tilespmem:s13], [sflag:$0x7], $0x800, $0x38;
	[tilespmem:$0x1E400] =	vst v63  }
0xf1: {  	_ =	swait.ge [sflag:s14], $0x800  }
0xf2: {  	s11 =	rddreg [dreg:$0x5]  }
0xf3: {  	s8 =	smov.u32 s12;
	[sflag:s14] =	ssyncset.done $0x0;
	s1 =	sadd.s32 $0xFFFFFFFF, s11  }
.LBB2_12:
0xf4: {  	[sflag:s14] =	ssyncadd.s32 $0xFFFFF800;
	s7 =	sadd.s32 $0x100, s7;
	s8 =	sadd.s32 $0x800, s8  }
0xf5: {  	[tilespmem:s13], [sflag:$0x7] =	stream.linear.gather [spmem:s8], $0x800, $0x38;
	[tilespmem:$0x1E400] =	vst v63  }
0xf6: {  	p0 =	sne.s32 s1, $0x1;
	s1 =	sadd.s32 $0xFFFFFFFF, s1;
	_ =	swait.ge [sflag:s14], $0x800  }
.Ltmp7:
0xf7: {  	[sflag:s14] =	ssyncset.done $0x0;
	(pc) =	sbr.rel @p0 .LBB2_12-.Ltmp7, $4  }
0xf8: {  	[sflag:s14] =	ssyncadd.s32 $0xFFFFF800  }
0xf9: {  	[hbm4b:s7+s5] =	stream.linear.scatter [tilespmem:s13], [sflag:$0x7], $0x800, $0x38;
	[tilespmem:$0x1E400] =	vst v63  }
0xfa: {  	_ =	swait.ge [sflag:s14], $0x800  }
0xfb: {  	[sflag:s14] =	ssyncset.done $0x0  }
.LBB2_13:
0xfc: {  	[sflag:s14] =	ssyncadd.s32 $0xFFFFF800;
	s1 =	rddreg [dreg:$0x7];
	s7 =	simm.s32 $0x400  }
0xfd: {  	[hbm4b:s1+s18] =	stream.strided.scatter [tilespmem:s23], [sflag:$0x7], $0x2780, s7, s18, $0x38;
	[tilespmem:$0x1E400] =	vst v63  }
0xfe: {  	_ =	swait.ge [sflag:s14], $0x2780  }
0xff: {  	s8 =	rddreg [dreg:$0xa]  }
0x100: {  	s15 =	rddreg [dreg:$0x8];
	s7 =	sadd.s32 $0x1, s8  }
0x101: {  	p0 =	sne.s32 s7, s15  }
.Ltmp8:
0x102: {  	_ = 	snop;
	(pc) =	sbr.rel @p0 .LBB2_1-.Ltmp8, $3  }
0x103: {  	_ =	sdelay $0x1  }
0x104: {  	[sflag:s14] =	ssyncset.done $0x0  }
0x105: {  	[sflag:s14] =	ssyncadd.s32 $0xFFFFD880  }
0x106: {  	_ =	sfence.sel $0x180000  }
0x107: {  	[bflag:$0x0] =	sbarrier.arrive $0xFFFF  }
0x108: {  	_ =	strace $0x90000047  }
0x109: {  	s0 =	stileid.u32;
	[bflag:$0x2] =	sbarrier.arrive $0xFFFF  }
0x10a: {  	p0 =	sne.s32 s0, $0x0;
	s0 =	rddreg [dreg:$0x4]  }
0x10b: {  	s0 =	sadd.s32 @!p0 $0x100000, s0  }
0x10c: {  	[sflag:s0] =	ssyncadd.tile.s32 @!p0 $0x1;
	_ =	shalt  }
.Lfunc_end2:
_tile_overlayer_lowered:
.L_overlay_start_2:
0x10d: {  	(tag) =	ssettag $0x2  }
0x10e: {  	s0 =	rddreg [dreg:$0x0];
	s2 =	stileid.u32  }
0x10f: {  	s1 =	rddreg [dreg:$0x1];
	p0 =	sne.s32 s2, $0x0  }
0x110: {  	s3 =	rddreg [dreg:$0x2];
	[bflag:$0x3] =	sbarrier.arrive $0xFFFF;
	s2 =	simm.s32 @!p0 $0x1C07  }
0x111: {  	[timem:s3], [sflag:s2] =	dma.local @!p0 [hbm:s0], s1  }
0x112: {  	s0 =	simm.s32 @!p0 $0x7  }
0x113: {  	_ =	swait.ge @!p0 [sflag:s0], s1  }
0x114: {  	s1 =	ssub.s32 @!p0 $0x0, s1;
	[sflag:s0] =	ssyncset.done @!p0 $0x0  }
0x115: {  	[sflag:s0] =	ssyncadd.s32 @!p0 s1  }
0x116: {  	[bflag:$0x3] =	sbarrier.arrive $0xFFFF  }
0x117: {  	_ =	shalt  }

</sc_bundles>
